<compile_context>
chip_gen: v7x
topology: tpu7x:2x2x1
jax: 0.10.2.dev20260603
libtpu: 0.0.44.dev20260713+nightly
codegen_flags: <defaults>
</compile_context>

<pallas_src>
import functools

import jax
import jax.numpy as jnp
from jax import lax
from jax.experimental import pallas as pl
from jax.experimental.pallas import tpu as pltpu
from jax.experimental.pallas import tpu_sc as plsc

N = 10000
HID = 128
E = 320000
EPS = 1e-5

NC, NS = 2, 16
NW = NC * NS
EPW = E // NW
B = 125
CH = EPW // B
BC = 80
CHC = EPW // BC
NP = 10240
RPW = NP // NS

_f32 = jnp.float32

_sc_mesh = plsc.VectorSubcoreMesh(
    core_axis_name="c", subcore_axis_name="s", num_cores=NC, num_subcores=NS)



@functools.partial(
    pl.kernel,
    out_type=jax.ShapeDtypeStruct((NC, NP, HID), _f32),
    mesh=_sc_mesh,
    scratch_types=[
        pltpu.VMEM((CHC, BC), jnp.int32),
        pltpu.VMEM((BC, HID), _f32),
        pltpu.VMEM_SHARED((NP, HID), _f32),
        pltpu.SemaphoreType.DMA,
    ],
)
def _count_kernel(dst_hbm, ones_hbm, zeros_hbm, degp_hbm,
                  didx_v, pay_v, acc_sh, sem):
    c = lax.axis_index("c")
    s = lax.axis_index("s")
    r0 = s * RPW
    pltpu.sync_copy(zeros_hbm.at[pl.ds(r0, RPW)], acc_sh.at[pl.ds(r0, RPW)])
    pltpu.sync_copy(dst_hbm.at[c, s], didx_v)
    pltpu.sync_copy(ones_hbm.at[pl.ds(0, BC)], pay_v)
    plsc.subcore_barrier()

    pltpu.async_copy(pay_v, acc_sh.at[didx_v.at[0]], sem, add=True)

    @pl.loop(1, CHC)
    def _chunks(j):
        pltpu.async_copy(pay_v, acc_sh.at[didx_v.at[j]], sem, add=True)
        pltpu.make_async_copy(pay_v, acc_sh.at[didx_v.at[0]], sem).wait()

    pltpu.make_async_copy(pay_v, acc_sh.at[didx_v.at[0]], sem).wait()
    plsc.subcore_barrier()
    pltpu.sync_copy(acc_sh.at[pl.ds(r0, RPW)], degp_hbm.at[c, pl.ds(r0, RPW)])



@functools.partial(
    pl.kernel,
    out_type=jax.ShapeDtypeStruct((NC, NP, HID), _f32),
    mesh=_sc_mesh,
    scratch_types=[
        pltpu.VMEM((CH, B), jnp.int32),
        pltpu.VMEM((CH // 2, B), jnp.int32),
        pltpu.VMEM((B, HID), _f32),
        pltpu.VMEM((B, HID), _f32),
        pltpu.VMEM_SHARED((NP, HID), _f32),
        pltpu.SemaphoreType.DMA,
        pltpu.SemaphoreType.DMA,
    ],
)
def _scatter_kernel(hp_hbm, src_hbm, dst_hbm, zeros_hbm, aggp_hbm,
                    sidx_v, didx_v, rows0_v, rows1_v, acc_sh, sem0, sem1):
    c = lax.axis_index("c")
    s = lax.axis_index("s")
    r0 = s * RPW
    hch = CH // 2
    pltpu.sync_copy(zeros_hbm.at[pl.ds(r0, RPW)], acc_sh.at[pl.ds(r0, RPW)])
    pltpu.sync_copy(src_hbm.at[c, s], sidx_v)
    pltpu.sync_copy(dst_hbm.at[c, s, pl.ds(0, hch)], didx_v)
    plsc.subcore_barrier()

    pltpu.async_copy(hp_hbm.at[sidx_v.at[0]], rows0_v, sem0)
    for half in range(2):
        base = half * hch

        @pl.loop(base, base + hch, step=2)
        def _chunks(j):
            pltpu.async_copy(hp_hbm.at[sidx_v.at[j + 1]], rows1_v, sem1)
            pltpu.make_async_copy(hp_hbm.at[sidx_v.at[j]], rows0_v, sem0).wait()
            pltpu.sync_copy(rows0_v, acc_sh.at[didx_v.at[j - base]], add=True)
            jn = lax.min(j + 2, CH - 1)
            pltpu.async_copy(hp_hbm.at[sidx_v.at[jn]], rows0_v, sem0)
            pltpu.make_async_copy(hp_hbm.at[sidx_v.at[j + 1]], rows1_v, sem1).wait()
            pltpu.sync_copy(rows1_v, acc_sh.at[didx_v.at[j + 1 - base]], add=True)

        if half == 0:
            pltpu.sync_copy(dst_hbm.at[c, s, pl.ds(hch, hch)], didx_v)

    pltpu.make_async_copy(hp_hbm.at[sidx_v.at[CH - 1]], rows0_v, sem0).wait()
    plsc.subcore_barrier()
    pltpu.sync_copy(acc_sh.at[pl.ds(r0, RPW)], aggp_hbm.at[c, pl.ds(r0, RPW)])



def _tc1a_body(x_ref, w1_ref, b1_ref, h_ref):
    h = jnp.dot(x_ref[...], w1_ref[...], preferred_element_type=_f32)
    h_ref[...] = h + b1_ref[...]


def _tc1b_body(degp_ref, h_ref, hp_ref, dinv_ref):
    deg = degp_ref[0][:N, 0:1] + degp_ref[1][:N, 0:1] + 1.0
    dinv = jnp.broadcast_to(lax.rsqrt(deg), (N, HID))
    hp_ref[...] = h_ref[...] * dinv
    dinv_ref[...] = dinv


def _tc2_body(aggp_ref, hp1_ref, dinv_ref, w2_ref, b2_ref, g1_ref, beta1_ref,
              hp2_ref):
    out1 = dinv_ref[...] * (aggp_ref[0][:N] + aggp_ref[1][:N] + hp1_ref[...])
    m = jnp.mean(out1, axis=0)
    v = jnp.mean((out1 - m) ** 2, axis=0)
    r = jnp.maximum(g1_ref[...] * (out1 - m) * lax.rsqrt(v + EPS)
                    + beta1_ref[...], 0.0)
    h2 = jnp.dot(r, w2_ref[...], preferred_element_type=_f32)
    hp2_ref[...] = (h2 + b2_ref[...]) * dinv_ref[...]


def _tc3_body(aggq_ref, hp2_ref, dinv_ref, x_ref, g2_ref, beta2_ref, out_ref):
    out2 = dinv_ref[...] * (aggq_ref[0][:N] + aggq_ref[1][:N] + hp2_ref[...])
    m = jnp.mean(out2, axis=0)
    v = jnp.mean((out2 - m) ** 2, axis=0)
    xn = g2_ref[...] * (out2 - m) * lax.rsqrt(v + EPS) + beta2_ref[...]
    out_ref[...] = jnp.maximum(xn + x_ref[...], 0.0)


_nh = jax.ShapeDtypeStruct((N, HID), _f32)
_tc1a = pl.pallas_call(_tc1a_body, out_shape=_nh)
_tc1b = pl.pallas_call(_tc1b_body, out_shape=(_nh, _nh))
_tc2 = pl.pallas_call(_tc2_body, out_shape=_nh)
_tc3 = pl.pallas_call(_tc3_body, out_shape=_nh)


def kernel(x, edge_index, W1, b1, g1, beta1, W2, b2, g2, beta2):
    ei = edge_index.astype(jnp.int32)
    src3 = ei[0].reshape(NC, NS, CH, B)
    dst3 = ei[1].reshape(NC, NS, CH, B)
    dst3c = ei[1].reshape(NC, NS, CHC, BC)
    zeros128 = jnp.zeros((NP, HID), _f32)
    ones128 = jnp.ones((NP, HID), _f32)

    h1 = _tc1a(x, W1, b1)
    degp = _count_kernel(dst3c, ones128, zeros128)
    hp1, dinv = _tc1b(degp, h1)
    aggp = _scatter_kernel(hp1, src3, dst3, zeros128)
    hp2 = _tc2(aggp, hp1, dinv, W2, b2, g1, beta1)
    aggq = _scatter_kernel(hp2, src3, dst3, zeros128)
    return _tc3(aggq, hp2, dinv, x, g2, beta2)

# --- scband reference (transcript-rebuilt; emitter-appended) ---
"""Pipeline reference for scband-residual-gcnblock-22136261443948 (READ-ONLY COPY).

The authoritative reference and input builder live on the scoring server;
editing this copy changes nothing except your own understanding.
"""

import jax, jax.numpy as jnp
import numpy as np

N_NODES = 10000
HID = 128
EPS = 1e-5


def setup_inputs(seed: int = 0) -> dict:
    key = jax.random.key(seed)
    ks = jax.random.split(key, 8)
    x = jax.random.normal(ks[0], (N_NODES, HID), dtype=jnp.float32)
    edge_index = jax.random.randint(ks[1], (2, 320000), 0, N_NODES, dtype=jnp.int64)
    W1 = jax.random.normal(ks[2], (HID, HID), dtype=jnp.float32) * (1.0 / np.sqrt(HID))
    b1 = jnp.zeros((HID,), dtype=jnp.float32)
    g1 = jnp.ones((HID,), dtype=jnp.float32)
    beta1 = jnp.zeros((HID,), dtype=jnp.float32)
    W2 = jax.random.normal(ks[3], (HID, HID), dtype=jnp.float32) * (1.0 / np.sqrt(HID))
    b2 = jnp.zeros((HID,), dtype=jnp.float32)
    g2 = jnp.ones((HID,), dtype=jnp.float32)
    beta2 = jnp.zeros((HID,), dtype=jnp.float32)
    return {"x": x, "edge_index": edge_index, "W1": W1, "b1": b1, "g1": g1,
            "beta1": beta1, "W2": W2, "b2": b2, "g2": g2, "beta2": beta2}


def _gcn_conv(x, edge_index, W, b):
    n = x.shape[0]
    loop = jnp.arange(n, dtype=edge_index.dtype)
    src = jnp.concatenate([edge_index[0], loop])
    dst = jnp.concatenate([edge_index[1], loop])
    deg = jnp.zeros((n,), dtype=x.dtype).at[dst].add(1.0)
    dinv = jnp.where(deg > 0, jax.lax.rsqrt(deg), 0.0)
    norm = dinv[src] * dinv[dst]
    h = x @ W + b
    msg = h[src] * norm[:, None]
    out = jnp.zeros((n, h.shape[1]), dtype=x.dtype).at[dst].add(msg)
    return out


def _batch_norm(x, gamma, beta):
    mean = jnp.mean(x, axis=0)
    var = jnp.mean((x - mean) ** 2, axis=0)
    return gamma * (x - mean) * jax.lax.rsqrt(var + EPS) + beta


def reference(x, edge_index, W1, b1, g1, beta1, W2, b2, g2, beta2):
    identity = x
    out = _gcn_conv(x, edge_index, W1, b1)
    out = _batch_norm(out, g1, beta1)
    out = jax.nn.relu(out)
    out = _gcn_conv(out, edge_index, W2, b2)
    out = _batch_norm(out, g2, beta2)
    out = out + identity
    out = jax.nn.relu(out)
    return out

if __name__ == "__main__":
    import jax
    _d = setup_inputs()
    print(jax.jit(kernel)(*tuple(_d.values())))

</pallas_src>

<mosaic_0001>
#map = affine_map<(d0, d1) -> (0, 0)>
#map1 = affine_map<(d0, d1) -> (0, 0, 0, 0)>
#map2 = affine_map<(d0, d1) -> (0, 0, 0)>
module attributes {stable_mosaic.version = 14 : i64} {
  func.func @_scatter_kernel(%arg0: i32, %arg1: i32, %arg2: memref<10000x128xf32, #tpu.memory_space<hbm>>, %arg3: memref<2x16x80x125xi32, #tpu.memory_space<hbm>>, %arg4: memref<2x16x80x125xi32, #tpu.memory_space<hbm>>, %arg5: memref<10240x128xf32, #tpu.memory_space<hbm>>, %arg6: memref<2x10240x128xf32, #tpu.memory_space<hbm>>, %arg7: memref<80x125xi32, #tpu.memory_space<vmem>>, %arg8: memref<40x125xi32, #tpu.memory_space<vmem>>, %arg9: memref<125x128xf32, #tpu.memory_space<vmem>>, %arg10: memref<125x128xf32, #tpu.memory_space<vmem>>, %arg11: memref<10240x128xf32, #tpu.memory_space<vmem_shared>>, %arg12: memref<!tpu.dma_semaphore, #tpu.memory_space<semaphore_mem>>, %arg13: memref<!tpu.dma_semaphore, #tpu.memory_space<semaphore_mem>>) attributes {dimension_semantics = [#tpu.dimension_semantics<core_parallel>, #tpu.dimension_semantics<subcore_parallel>], iteration_bounds = array<i64: 2, 16>, scalar_prefetch = 0 : i64, scratch_operands = 7 : i64, tpu.core_type = #tpu.core_type<sc_vector_subcore>, window_params = [{transform_indices = #map}, {transform_indices = #map1}, {transform_indices = #map1}, {transform_indices = #map}, {transform_indices = #map2}]} {
    %mul3A = arith.constant 640 : i32
    %mul3A_0 = arith.muli %arg1, %mul3A : i32
    "tpu.region"() ({
      %run_scoped3A = tpu.sem_alloc : memref<!tpu.dma_semaphore, #tpu.memory_space<semaphore_mem>>
      %dma_start3A_23 = arith.constant 0 : i32
      %dma_start3A_24 = tpu.memref_slice %arg11[%mul3A_0, %dma_start3A_23] : memref<10240x128xf32, #tpu.memory_space<vmem_shared>> -> memref<640x128xf32, #tpu.memory_space<vmem_shared>>
      %dma_start3A_25 = arith.constant 0 : i32
      %dma_start3A_26 = tpu.memref_slice %arg5[%mul3A_0, %dma_start3A_25] : memref<10240x128xf32, #tpu.memory_space<hbm>> -> memref<640x128xf32, #tpu.memory_space<hbm>>
      tpu.enqueue_dma source(%dma_start3A_26 : memref<640x128xf32, #tpu.memory_space<hbm>>) target(%dma_start3A_24 : memref<640x128xf32, #tpu.memory_space<vmem_shared>>) target_semaphore(%run_scoped3A : memref<!tpu.dma_semaphore, #tpu.memory_space<semaphore_mem>>)
      %dma_wait3A_27 = arith.constant 0 : i32
      %dma_wait3A_28 = tpu.memref_slice %arg11[%mul3A_0, %dma_wait3A_27] : memref<10240x128xf32, #tpu.memory_space<vmem_shared>> -> memref<640x128xf32, #tpu.memory_space<vmem_shared>>
      %dma_wait3A_29 = arith.constant 0 : i32
      %dma_wait3A_30 = tpu.memref_slice %arg5[%mul3A_0, %dma_wait3A_29] : memref<10240x128xf32, #tpu.memory_space<hbm>> -> memref<640x128xf32, #tpu.memory_space<hbm>>
      tpu.wait_dma2 semaphore(%run_scoped3A : memref<!tpu.dma_semaphore, #tpu.memory_space<semaphore_mem>>) src(%dma_wait3A_30 : memref<640x128xf32, #tpu.memory_space<hbm>>) dst(%dma_wait3A_28 : memref<640x128xf32, #tpu.memory_space<vmem_shared>>)
      tpu.yield
    }) : () -> ()
    "tpu.region"() ({
      %run_scoped3A = tpu.sem_alloc : memref<!tpu.dma_semaphore, #tpu.memory_space<semaphore_mem>>
      %dma_start3A_23 = arith.constant 0 : i32
      %dma_start3A_24 = arith.constant 0 : i32
      %dma_start3A_25 = tpu.memref_slice %arg3[%arg0, %arg1, %dma_start3A_23, %dma_start3A_24] : memref<2x16x80x125xi32, #tpu.memory_space<hbm>> -> memref<1x1x80x125xi32, #tpu.memory_space<hbm>>
      %dma_start3A_26 = tpu.memref_squeeze %dma_start3A_25 : memref<1x1x80x125xi32, #tpu.memory_space<hbm>> -> memref<80x125xi32, #tpu.memory_space<hbm>>
      %dma_start3A_27 = arith.constant 0 : i32
      %dma_start3A_28 = arith.constant 0 : i32
      %dma_start3A_29 = tpu.memref_slice %arg3[%arg0, %arg1, %dma_start3A_27, %dma_start3A_28] : memref<2x16x80x125xi32, #tpu.memory_space<hbm>> -> memref<1x1x80x125xi32, #tpu.memory_space<hbm>>
      %dma_start3A_30 = tpu.memref_squeeze %dma_start3A_29 : memref<1x1x80x125xi32, #tpu.memory_space<hbm>> -> memref<80x125xi32, #tpu.memory_space<hbm>>
      tpu.enqueue_dma source(%dma_start3A_30 : memref<80x125xi32, #tpu.memory_space<hbm>>) target(%arg7 : memref<80x125xi32, #tpu.memory_space<vmem>>) target_semaphore(%run_scoped3A : memref<!tpu.dma_semaphore, #tpu.memory_space<semaphore_mem>>)
      %dma_wait3A_31 = arith.constant 0 : i32
      %dma_wait3A_32 = arith.constant 0 : i32
      %dma_wait3A_33 = tpu.memref_slice %arg3[%arg0, %arg1, %dma_wait3A_31, %dma_wait3A_32] : memref<2x16x80x125xi32, #tpu.memory_space<hbm>> -> memref<1x1x80x125xi32, #tpu.memory_space<hbm>>
      %dma_wait3A_34 = tpu.memref_squeeze %dma_wait3A_33 : memref<1x1x80x125xi32, #tpu.memory_space<hbm>> -> memref<80x125xi32, #tpu.memory_space<hbm>>
      %dma_wait3A_35 = arith.constant 0 : i32
      %dma_wait3A_36 = arith.constant 0 : i32
      %dma_wait3A_37 = tpu.memref_slice %arg3[%arg0, %arg1, %dma_wait3A_35, %dma_wait3A_36] : memref<2x16x80x125xi32, #tpu.memory_space<hbm>> -> memref<1x1x80x125xi32, #tpu.memory_space<hbm>>
      %dma_wait3A_38 = tpu.memref_squeeze %dma_wait3A_37 : memref<1x1x80x125xi32, #tpu.memory_space<hbm>> -> memref<80x125xi32, #tpu.memory_space<hbm>>
      tpu.wait_dma2 semaphore(%run_scoped3A : memref<!tpu.dma_semaphore, #tpu.memory_space<semaphore_mem>>) src(%dma_wait3A_38 : memref<80x125xi32, #tpu.memory_space<hbm>>) dst(%arg7 : memref<80x125xi32, #tpu.memory_space<vmem>>)
      tpu.yield
    }) : () -> ()
    "tpu.region"() ({
      %run_scoped3A = tpu.sem_alloc : memref<!tpu.dma_semaphore, #tpu.memory_space<semaphore_mem>>
      %dma_start3A_23 = arith.constant 0 : i32
      %dma_start3A_24 = arith.constant 0 : i32
      %dma_start3A_25 = tpu.memref_slice %arg4[%arg0, %arg1, %dma_start3A_23, %dma_start3A_24] : memref<2x16x80x125xi32, #tpu.memory_space<hbm>> -> memref<1x1x40x125xi32, #tpu.memory_space<hbm>>
      %dma_start3A_26 = tpu.memref_squeeze %dma_start3A_25 : memref<1x1x40x125xi32, #tpu.memory_space<hbm>> -> memref<40x125xi32, #tpu.memory_space<hbm>>
      %dma_start3A_27 = arith.constant 0 : i32
      %dma_start3A_28 = arith.constant 0 : i32
      %dma_start3A_29 = tpu.memref_slice %arg4[%arg0, %arg1, %dma_start3A_27, %dma_start3A_28] : memref<2x16x80x125xi32, #tpu.memory_space<hbm>> -> memref<1x1x40x125xi32, #tpu.memory_space<hbm>>
      %dma_start3A_30 = tpu.memref_squeeze %dma_start3A_29 : memref<1x1x40x125xi32, #tpu.memory_space<hbm>> -> memref<40x125xi32, #tpu.memory_space<hbm>>
      tpu.enqueue_dma source(%dma_start3A_30 : memref<40x125xi32, #tpu.memory_space<hbm>>) target(%arg8 : memref<40x125xi32, #tpu.memory_space<vmem>>) target_semaphore(%run_scoped3A : memref<!tpu.dma_semaphore, #tpu.memory_space<semaphore_mem>>)
      %dma_wait3A_31 = arith.constant 0 : i32
      %dma_wait3A_32 = arith.constant 0 : i32
      %dma_wait3A_33 = tpu.memref_slice %arg4[%arg0, %arg1, %dma_wait3A_31, %dma_wait3A_32] : memref<2x16x80x125xi32, #tpu.memory_space<hbm>> -> memref<1x1x40x125xi32, #tpu.memory_space<hbm>>
      %dma_wait3A_34 = tpu.memref_squeeze %dma_wait3A_33 : memref<1x1x40x125xi32, #tpu.memory_space<hbm>> -> memref<40x125xi32, #tpu.memory_space<hbm>>
      %dma_wait3A_35 = arith.constant 0 : i32
      %dma_wait3A_36 = arith.constant 0 : i32
      %dma_wait3A_37 = tpu.memref_slice %arg4[%arg0, %arg1, %dma_wait3A_35, %dma_wait3A_36] : memref<2x16x80x125xi32, #tpu.memory_space<hbm>> -> memref<1x1x40x125xi32, #tpu.memory_space<hbm>>
      %dma_wait3A_38 = tpu.memref_squeeze %dma_wait3A_37 : memref<1x1x40x125xi32, #tpu.memory_space<hbm>> -> memref<40x125xi32, #tpu.memory_space<hbm>>
      tpu.wait_dma2 semaphore(%run_scoped3A : memref<!tpu.dma_semaphore, #tpu.memory_space<semaphore_mem>>) src(%dma_wait3A_38 : memref<40x125xi32, #tpu.memory_space<hbm>>) dst(%arg8 : memref<40x125xi32, #tpu.memory_space<vmem>>)
      tpu.yield
    }) : () -> ()
    %barrier3A = arith.constant 0 : index
    tpu.barrier barrier_id(%barrier3A)
    %dma_start3A = arith.constant 0 : i32
    %dma_start3A_1 = arith.constant 0 : i32
    %dma_start3A_2 = tpu.memref_slice %arg7[%dma_start3A, %dma_start3A_1] : memref<80x125xi32, #tpu.memory_space<vmem>> -> memref<1x125xi32, #tpu.memory_space<vmem>>
    %dma_start3A_3 = tpu.memref_squeeze %dma_start3A_2 : memref<1x125xi32, #tpu.memory_space<vmem>> -> memref<125xi32, #tpu.memory_space<vmem>>
    %dma_start3A_4 = arith.constant 0 : i32
    %dma_start3A_5 = arith.constant 0 : i32
    %dma_start3A_6 = tpu.memref_slice %arg2[%dma_start3A_4, %dma_start3A_5] : memref<10000x128xf32, #tpu.memory_space<hbm>> -> memref<10000x128xf32, #tpu.memory_space<hbm>>
    tpu.enqueue_indirect_dma source(%dma_start3A_6 : memref<10000x128xf32, #tpu.memory_space<hbm>>) target(%arg9 : memref<125x128xf32, #tpu.memory_space<vmem>>) offsets(%dma_start3A_3 : memref<125xi32, #tpu.memory_space<vmem>>) semaphore(%arg12 : memref<!tpu.dma_semaphore, #tpu.memory_space<semaphore_mem>>)
    %scan3A = arith.constant 0 : i32
    %scan3A_7 = arith.constant 20 : i32
    %scan3A_8 = arith.addi %scan3A, %scan3A_7 : i32
    %scan3A_9 = arith.constant 1 : i32
    scf.for %scan3A_23 = %scan3A to %scan3A_8 step %scan3A_9  : i32 {
      %mul3A_24 = arith.constant 2 : i32
      %mul3A_25 = arith.muli %scan3A_23, %mul3A_24 : i32
      %add3A = arith.constant 0 : i32
      %add3A_26 = arith.addi %add3A, %mul3A_25 : i32
      %add3A_27 = arith.constant 1 : i32
      %add3A_28 = arith.addi %add3A_26, %add3A_27 : i32
      %dma_start3A_29 = arith.constant 0 : i32
      %dma_start3A_30 = tpu.memref_slice %arg7[%add3A_28, %dma_start3A_29] : memref<80x125xi32, #tpu.memory_space<vmem>> -> memref<1x125xi32, #tpu.memory_space<vmem>>
      %dma_start3A_31 = tpu.memref_squeeze %dma_start3A_30 : memref<1x125xi32, #tpu.memory_space<vmem>> -> memref<125xi32, #tpu.memory_space<vmem>>
      %dma_start3A_32 = arith.constant 0 : i32
      %dma_start3A_33 = arith.constant 0 : i32
      %dma_start3A_34 = tpu.memref_slice %arg2[%dma_start3A_32, %dma_start3A_33] : memref<10000x128xf32, #tpu.memory_space<hbm>> -> memref<10000x128xf32, #tpu.memory_space<hbm>>
      tpu.enqueue_indirect_dma source(%dma_start3A_34 : memref<10000x128xf32, #tpu.memory_space<hbm>>) target(%arg10 : memref<125x128xf32, #tpu.memory_space<vmem>>) offsets(%dma_start3A_31 : memref<125xi32, #tpu.memory_space<vmem>>) semaphore(%arg13 : memref<!tpu.dma_semaphore, #tpu.memory_space<semaphore_mem>>)
      %dma_wait3A_35 = arith.constant 0 : i32
      %dma_wait3A_36 = tpu.memref_slice %arg7[%add3A_26, %dma_wait3A_35] : memref<80x125xi32, #tpu.memory_space<vmem>> -> memref<1x125xi32, #tpu.memory_space<vmem>>
      %dma_wait3A_37 = tpu.memref_squeeze %dma_wait3A_36 : memref<1x125xi32, #tpu.memory_space<vmem>> -> memref<125xi32, #tpu.memory_space<vmem>>
      %dma_wait3A_38 = arith.constant 0 : i32
      %dma_wait3A_39 = arith.constant 0 : i32
      %dma_wait3A_40 = tpu.memref_slice %arg2[%dma_wait3A_38, %dma_wait3A_39] : memref<10000x128xf32, #tpu.memory_space<hbm>> -> memref<10000x128xf32, #tpu.memory_space<hbm>>
      tpu.wait_indirect_dma semaphore(%arg12 : memref<!tpu.dma_semaphore, #tpu.memory_space<semaphore_mem>>) src(%dma_wait3A_40 : memref<10000x128xf32, #tpu.memory_space<hbm>>) dst(%arg9 : memref<125x128xf32, #tpu.memory_space<vmem>>)
      %sub3A = arith.constant 0 : i32
      %sub3A_41 = arith.subi %add3A_26, %sub3A : i32
      "tpu.region"() ({
        %run_scoped3A = tpu.sem_alloc : memref<!tpu.dma_semaphore, #tpu.memory_space<semaphore_mem>>
        %dma_start3A_63 = arith.constant 0 : i32
        %dma_start3A_64 = tpu.memref_slice %arg8[%sub3A_41, %dma_start3A_63] : memref<40x125xi32, #tpu.memory_space<vmem>> -> memref<1x125xi32, #tpu.memory_space<vmem>>
        %dma_start3A_65 = tpu.memref_squeeze %dma_start3A_64 : memref<1x125xi32, #tpu.memory_space<vmem>> -> memref<125xi32, #tpu.memory_space<vmem>>
        %dma_start3A_66 = arith.constant 0 : i32
        %dma_start3A_67 = arith.constant 0 : i32
        %dma_start3A_68 = tpu.memref_slice %arg11[%dma_start3A_66, %dma_start3A_67] : memref<10240x128xf32, #tpu.memory_space<vmem_shared>> -> memref<10240x128xf32, #tpu.memory_space<vmem_shared>>
        tpu.enqueue_indirect_dma source(%arg9 : memref<125x128xf32, #tpu.memory_space<vmem>>) target(%dma_start3A_68 : memref<10240x128xf32, #tpu.memory_space<vmem_shared>>) offsets(%dma_start3A_65 : memref<125xi32, #tpu.memory_space<vmem>>) semaphore(%run_scoped3A : memref<!tpu.dma_semaphore, #tpu.memory_space<semaphore_mem>>) {add = true}
        %dma_wait3A_69 = arith.constant 0 : i32
        %dma_wait3A_70 = tpu.memref_slice %arg8[%sub3A_41, %dma_wait3A_69] : memref<40x125xi32, #tpu.memory_space<vmem>> -> memref<1x125xi32, #tpu.memory_space<vmem>>
        %dma_wait3A_71 = tpu.memref_squeeze %dma_wait3A_70 : memref<1x125xi32, #tpu.memory_space<vmem>> -> memref<125xi32, #tpu.memory_space<vmem>>
        %dma_wait3A_72 = arith.constant 0 : i32
        %dma_wait3A_73 = arith.constant 0 : i32
        %dma_wait3A_74 = tpu.memref_slice %arg11[%dma_wait3A_72, %dma_wait3A_73] : memref<10240x128xf32, #tpu.memory_space<vmem_shared>> -> memref<10240x128xf32, #tpu.memory_space<vmem_shared>>
        tpu.wait_indirect_dma semaphore(%run_scoped3A : memref<!tpu.dma_semaphore, #tpu.memory_space<semaphore_mem>>) src(%arg9 : memref<125x128xf32, #tpu.memory_space<vmem>>) dst(%dma_wait3A_74 : memref<10240x128xf32, #tpu.memory_space<vmem_shared>>)
        tpu.yield
      }) : () -> ()
      %add3A_42 = arith.constant 2 : i32
      %add3A_43 = arith.addi %add3A_26, %add3A_42 : i32
      %min3A = arith.constant 79 : i32
      %min3A_44 = arith.minsi %add3A_43, %min3A : i32
      %dma_start3A_45 = arith.constant 0 : i32
      %dma_start3A_46 = tpu.memref_slice %arg7[%min3A_44, %dma_start3A_45] : memref<80x125xi32, #tpu.memory_space<vmem>> -> memref<1x125xi32, #tpu.memory_space<vmem>>
      %dma_start3A_47 = tpu.memref_squeeze %dma_start3A_46 : memref<1x125xi32, #tpu.memory_space<vmem>> -> memref<125xi32, #tpu.memory_space<vmem>>
      %dma_start3A_48 = arith.constant 0 : i32
      %dma_start3A_49 = arith.constant 0 : i32
      %dma_start3A_50 = tpu.memref_slice %arg2[%dma_start3A_48, %dma_start3A_49] : memref<10000x128xf32, #tpu.memory_space<hbm>> -> memref<10000x128xf32, #tpu.memory_space<hbm>>
      tpu.enqueue_indirect_dma source(%dma_start3A_50 : memref<10000x128xf32, #tpu.memory_space<hbm>>) target(%arg9 : memref<125x128xf32, #tpu.memory_space<vmem>>) offsets(%dma_start3A_47 : memref<125xi32, #tpu.memory_space<vmem>>) semaphore(%arg12 : memref<!tpu.dma_semaphore, #tpu.memory_space<semaphore_mem>>)
      %add3A_51 = arith.constant 1 : i32
      %add3A_52 = arith.addi %add3A_26, %add3A_51 : i32
      %dma_wait3A_53 = arith.constant 0 : i32
      %dma_wait3A_54 = tpu.memref_slice %arg7[%add3A_52, %dma_wait3A_53] : memref<80x125xi32, #tpu.memory_space<vmem>> -> memref<1x125xi32, #tpu.memory_space<vmem>>
      %dma_wait3A_55 = tpu.memref_squeeze %dma_wait3A_54 : memref<1x125xi32, #tpu.memory_space<vmem>> -> memref<125xi32, #tpu.memory_space<vmem>>
      %dma_wait3A_56 = arith.constant 0 : i32
      %dma_wait3A_57 = arith.constant 0 : i32
      %dma_wait3A_58 = tpu.memref_slice %arg2[%dma_wait3A_56, %dma_wait3A_57] : memref<10000x128xf32, #tpu.memory_space<hbm>> -> memref<10000x128xf32, #tpu.memory_space<hbm>>
      tpu.wait_indirect_dma semaphore(%arg13 : memref<!tpu.dma_semaphore, #tpu.memory_space<semaphore_mem>>) src(%dma_wait3A_58 : memref<10000x128xf32, #tpu.memory_space<hbm>>) dst(%arg10 : memref<125x128xf32, #tpu.memory_space<vmem>>)
      %add3A_59 = arith.constant 1 : i32
      %add3A_60 = arith.addi %add3A_26, %add3A_59 : i32
      %sub3A_61 = arith.constant 0 : i32
      %sub3A_62 = arith.subi %add3A_60, %sub3A_61 : i32
      "tpu.region"() ({
        %run_scoped3A = tpu.sem_alloc : memref<!tpu.dma_semaphore, #tpu.memory_space<semaphore_mem>>
        %dma_start3A_63 = arith.constant 0 : i32
        %dma_start3A_64 = tpu.memref_slice %arg8[%sub3A_62, %dma_start3A_63] : memref<40x125xi32, #tpu.memory_space<vmem>> -> memref<1x125xi32, #tpu.memory_space<vmem>>
        %dma_start3A_65 = tpu.memref_squeeze %dma_start3A_64 : memref<1x125xi32, #tpu.memory_space<vmem>> -> memref<125xi32, #tpu.memory_space<vmem>>
        %dma_start3A_66 = arith.constant 0 : i32
        %dma_start3A_67 = arith.constant 0 : i32
        %dma_start3A_68 = tpu.memref_slice %arg11[%dma_start3A_66, %dma_start3A_67] : memref<10240x128xf32, #tpu.memory_space<vmem_shared>> -> memref<10240x128xf32, #tpu.memory_space<vmem_shared>>
        tpu.enqueue_indirect_dma source(%arg10 : memref<125x128xf32, #tpu.memory_space<vmem>>) target(%dma_start3A_68 : memref<10240x128xf32, #tpu.memory_space<vmem_shared>>) offsets(%dma_start3A_65 : memref<125xi32, #tpu.memory_space<vmem>>) semaphore(%run_scoped3A : memref<!tpu.dma_semaphore, #tpu.memory_space<semaphore_mem>>) {add = true}
        %dma_wait3A_69 = arith.constant 0 : i32
        %dma_wait3A_70 = tpu.memref_slice %arg8[%sub3A_62, %dma_wait3A_69] : memref<40x125xi32, #tpu.memory_space<vmem>> -> memref<1x125xi32, #tpu.memory_space<vmem>>
        %dma_wait3A_71 = tpu.memref_squeeze %dma_wait3A_70 : memref<1x125xi32, #tpu.memory_space<vmem>> -> memref<125xi32, #tpu.memory_space<vmem>>
        %dma_wait3A_72 = arith.constant 0 : i32
        %dma_wait3A_73 = arith.constant 0 : i32
        %dma_wait3A_74 = tpu.memref_slice %arg11[%dma_wait3A_72, %dma_wait3A_73] : memref<10240x128xf32, #tpu.memory_space<vmem_shared>> -> memref<10240x128xf32, #tpu.memory_space<vmem_shared>>
        tpu.wait_indirect_dma semaphore(%run_scoped3A : memref<!tpu.dma_semaphore, #tpu.memory_space<semaphore_mem>>) src(%arg10 : memref<125x128xf32, #tpu.memory_space<vmem>>) dst(%dma_wait3A_74 : memref<10240x128xf32, #tpu.memory_space<vmem_shared>>)
        tpu.yield
      }) : () -> ()
    }
    %scan3A_10 = arith.constant 20 : i32
    "tpu.region"() ({
      %run_scoped3A = tpu.sem_alloc : memref<!tpu.dma_semaphore, #tpu.memory_space<semaphore_mem>>
      %dma_start3A_23 = arith.constant 40 : i32
      %dma_start3A_24 = arith.constant 0 : i32
      %dma_start3A_25 = tpu.memref_slice %arg4[%arg0, %arg1, %dma_start3A_23, %dma_start3A_24] : memref<2x16x80x125xi32, #tpu.memory_space<hbm>> -> memref<1x1x40x125xi32, #tpu.memory_space<hbm>>
      %dma_start3A_26 = tpu.memref_squeeze %dma_start3A_25 : memref<1x1x40x125xi32, #tpu.memory_space<hbm>> -> memref<40x125xi32, #tpu.memory_space<hbm>>
      %dma_start3A_27 = arith.constant 40 : i32
      %dma_start3A_28 = arith.constant 0 : i32
      %dma_start3A_29 = tpu.memref_slice %arg4[%arg0, %arg1, %dma_start3A_27, %dma_start3A_28] : memref<2x16x80x125xi32, #tpu.memory_space<hbm>> -> memref<1x1x40x125xi32, #tpu.memory_space<hbm>>
      %dma_start3A_30 = tpu.memref_squeeze %dma_start3A_29 : memref<1x1x40x125xi32, #tpu.memory_space<hbm>> -> memref<40x125xi32, #tpu.memory_space<hbm>>
      tpu.enqueue_dma source(%dma_start3A_30 : memref<40x125xi32, #tpu.memory_space<hbm>>) target(%arg8 : memref<40x125xi32, #tpu.memory_space<vmem>>) target_semaphore(%run_scoped3A : memref<!tpu.dma_semaphore, #tpu.memory_space<semaphore_mem>>)
      %dma_wait3A_31 = arith.constant 40 : i32
      %dma_wait3A_32 = arith.constant 0 : i32
      %dma_wait3A_33 = tpu.memref_slice %arg4[%arg0, %arg1, %dma_wait3A_31, %dma_wait3A_32] : memref<2x16x80x125xi32, #tpu.memory_space<hbm>> -> memref<1x1x40x125xi32, #tpu.memory_space<hbm>>
      %dma_wait3A_34 = tpu.memref_squeeze %dma_wait3A_33 : memref<1x1x40x125xi32, #tpu.memory_space<hbm>> -> memref<40x125xi32, #tpu.memory_space<hbm>>
      %dma_wait3A_35 = arith.constant 40 : i32
      %dma_wait3A_36 = arith.constant 0 : i32
      %dma_wait3A_37 = tpu.memref_slice %arg4[%arg0, %arg1, %dma_wait3A_35, %dma_wait3A_36] : memref<2x16x80x125xi32, #tpu.memory_space<hbm>> -> memref<1x1x40x125xi32, #tpu.memory_space<hbm>>
      %dma_wait3A_38 = tpu.memref_squeeze %dma_wait3A_37 : memref<1x1x40x125xi32, #tpu.memory_space<hbm>> -> memref<40x125xi32, #tpu.memory_space<hbm>>
      tpu.wait_dma2 semaphore(%run_scoped3A : memref<!tpu.dma_semaphore, #tpu.memory_space<semaphore_mem>>) src(%dma_wait3A_38 : memref<40x125xi32, #tpu.memory_space<hbm>>) dst(%arg8 : memref<40x125xi32, #tpu.memory_space<vmem>>)
      tpu.yield
    }) : () -> ()
    %scan3A_11 = arith.constant 0 : i32
    %scan3A_12 = arith.constant 20 : i32
    %scan3A_13 = arith.addi %scan3A_11, %scan3A_12 : i32
    %scan3A_14 = arith.constant 1 : i32
    scf.for %scan3A_23 = %scan3A_11 to %scan3A_13 step %scan3A_14  : i32 {
      %mul3A_24 = arith.constant 2 : i32
      %mul3A_25 = arith.muli %scan3A_23, %mul3A_24 : i32
      %add3A = arith.constant 40 : i32
      %add3A_26 = arith.addi %add3A, %mul3A_25 : i32
      %add3A_27 = arith.constant 1 : i32
      %add3A_28 = arith.addi %add3A_26, %add3A_27 : i32
      %dma_start3A_29 = arith.constant 0 : i32
      %dma_start3A_30 = tpu.memref_slice %arg7[%add3A_28, %dma_start3A_29] : memref<80x125xi32, #tpu.memory_space<vmem>> -> memref<1x125xi32, #tpu.memory_space<vmem>>
      %dma_start3A_31 = tpu.memref_squeeze %dma_start3A_30 : memref<1x125xi32, #tpu.memory_space<vmem>> -> memref<125xi32, #tpu.memory_space<vmem>>
      %dma_start3A_32 = arith.constant 0 : i32
      %dma_start3A_33 = arith.constant 0 : i32
      %dma_start3A_34 = tpu.memref_slice %arg2[%dma_start3A_32, %dma_start3A_33] : memref<10000x128xf32, #tpu.memory_space<hbm>> -> memref<10000x128xf32, #tpu.memory_space<hbm>>
      tpu.enqueue_indirect_dma source(%dma_start3A_34 : memref<10000x128xf32, #tpu.memory_space<hbm>>) target(%arg10 : memref<125x128xf32, #tpu.memory_space<vmem>>) offsets(%dma_start3A_31 : memref<125xi32, #tpu.memory_space<vmem>>) semaphore(%arg13 : memref<!tpu.dma_semaphore, #tpu.memory_space<semaphore_mem>>)
      %dma_wait3A_35 = arith.constant 0 : i32
      %dma_wait3A_36 = tpu.memref_slice %arg7[%add3A_26, %dma_wait3A_35] : memref<80x125xi32, #tpu.memory_space<vmem>> -> memref<1x125xi32, #tpu.memory_space<vmem>>
      %dma_wait3A_37 = tpu.memref_squeeze %dma_wait3A_36 : memref<1x125xi32, #tpu.memory_space<vmem>> -> memref<125xi32, #tpu.memory_space<vmem>>
      %dma_wait3A_38 = arith.constant 0 : i32
      %dma_wait3A_39 = arith.constant 0 : i32
      %dma_wait3A_40 = tpu.memref_slice %arg2[%dma_wait3A_38, %dma_wait3A_39] : memref<10000x128xf32, #tpu.memory_space<hbm>> -> memref<10000x128xf32, #tpu.memory_space<hbm>>
      tpu.wait_indirect_dma semaphore(%arg12 : memref<!tpu.dma_semaphore, #tpu.memory_space<semaphore_mem>>) src(%dma_wait3A_40 : memref<10000x128xf32, #tpu.memory_space<hbm>>) dst(%arg9 : memref<125x128xf32, #tpu.memory_space<vmem>>)
      %sub3A = arith.constant 40 : i32
      %sub3A_41 = arith.subi %add3A_26, %sub3A : i32
      "tpu.region"() ({
        %run_scoped3A = tpu.sem_alloc : memref<!tpu.dma_semaphore, #tpu.memory_space<semaphore_mem>>
        %dma_start3A_63 = arith.constant 0 : i32
        %dma_start3A_64 = tpu.memref_slice %arg8[%sub3A_41, %dma_start3A_63] : memref<40x125xi32, #tpu.memory_space<vmem>> -> memref<1x125xi32, #tpu.memory_space<vmem>>
        %dma_start3A_65 = tpu.memref_squeeze %dma_start3A_64 : memref<1x125xi32, #tpu.memory_space<vmem>> -> memref<125xi32, #tpu.memory_space<vmem>>
        %dma_start3A_66 = arith.constant 0 : i32
        %dma_start3A_67 = arith.constant 0 : i32
        %dma_start3A_68 = tpu.memref_slice %arg11[%dma_start3A_66, %dma_start3A_67] : memref<10240x128xf32, #tpu.memory_space<vmem_shared>> -> memref<10240x128xf32, #tpu.memory_space<vmem_shared>>
        tpu.enqueue_indirect_dma source(%arg9 : memref<125x128xf32, #tpu.memory_space<vmem>>) target(%dma_start3A_68 : memref<10240x128xf32, #tpu.memory_space<vmem_shared>>) offsets(%dma_start3A_65 : memref<125xi32, #tpu.memory_space<vmem>>) semaphore(%run_scoped3A : memref<!tpu.dma_semaphore, #tpu.memory_space<semaphore_mem>>) {add = true}
        %dma_wait3A_69 = arith.constant 0 : i32
        %dma_wait3A_70 = tpu.memref_slice %arg8[%sub3A_41, %dma_wait3A_69] : memref<40x125xi32, #tpu.memory_space<vmem>> -> memref<1x125xi32, #tpu.memory_space<vmem>>
        %dma_wait3A_71 = tpu.memref_squeeze %dma_wait3A_70 : memref<1x125xi32, #tpu.memory_space<vmem>> -> memref<125xi32, #tpu.memory_space<vmem>>
        %dma_wait3A_72 = arith.constant 0 : i32
        %dma_wait3A_73 = arith.constant 0 : i32
        %dma_wait3A_74 = tpu.memref_slice %arg11[%dma_wait3A_72, %dma_wait3A_73] : memref<10240x128xf32, #tpu.memory_space<vmem_shared>> -> memref<10240x128xf32, #tpu.memory_space<vmem_shared>>
        tpu.wait_indirect_dma semaphore(%run_scoped3A : memref<!tpu.dma_semaphore, #tpu.memory_space<semaphore_mem>>) src(%arg9 : memref<125x128xf32, #tpu.memory_space<vmem>>) dst(%dma_wait3A_74 : memref<10240x128xf32, #tpu.memory_space<vmem_shared>>)
        tpu.yield
      }) : () -> ()
      %add3A_42 = arith.constant 2 : i32
      %add3A_43 = arith.addi %add3A_26, %add3A_42 : i32
      %min3A = arith.constant 79 : i32
      %min3A_44 = arith.minsi %add3A_43, %min3A : i32
      %dma_start3A_45 = arith.constant 0 : i32
      %dma_start3A_46 = tpu.memref_slice %arg7[%min3A_44, %dma_start3A_45] : memref<80x125xi32, #tpu.memory_space<vmem>> -> memref<1x125xi32, #tpu.memory_space<vmem>>
      %dma_start3A_47 = tpu.memref_squeeze %dma_start3A_46 : memref<1x125xi32, #tpu.memory_space<vmem>> -> memref<125xi32, #tpu.memory_space<vmem>>
      %dma_start3A_48 = arith.constant 0 : i32
      %dma_start3A_49 = arith.constant 0 : i32
      %dma_start3A_50 = tpu.memref_slice %arg2[%dma_start3A_48, %dma_start3A_49] : memref<10000x128xf32, #tpu.memory_space<hbm>> -> memref<10000x128xf32, #tpu.memory_space<hbm>>
      tpu.enqueue_indirect_dma source(%dma_start3A_50 : memref<10000x128xf32, #tpu.memory_space<hbm>>) target(%arg9 : memref<125x128xf32, #tpu.memory_space<vmem>>) offsets(%dma_start3A_47 : memref<125xi32, #tpu.memory_space<vmem>>) semaphore(%arg12 : memref<!tpu.dma_semaphore, #tpu.memory_space<semaphore_mem>>)
      %add3A_51 = arith.constant 1 : i32
      %add3A_52 = arith.addi %add3A_26, %add3A_51 : i32
      %dma_wait3A_53 = arith.constant 0 : i32
      %dma_wait3A_54 = tpu.memref_slice %arg7[%add3A_52, %dma_wait3A_53] : memref<80x125xi32, #tpu.memory_space<vmem>> -> memref<1x125xi32, #tpu.memory_space<vmem>>
      %dma_wait3A_55 = tpu.memref_squeeze %dma_wait3A_54 : memref<1x125xi32, #tpu.memory_space<vmem>> -> memref<125xi32, #tpu.memory_space<vmem>>
      %dma_wait3A_56 = arith.constant 0 : i32
      %dma_wait3A_57 = arith.constant 0 : i32
      %dma_wait3A_58 = tpu.memref_slice %arg2[%dma_wait3A_56, %dma_wait3A_57] : memref<10000x128xf32, #tpu.memory_space<hbm>> -> memref<10000x128xf32, #tpu.memory_space<hbm>>
      tpu.wait_indirect_dma semaphore(%arg13 : memref<!tpu.dma_semaphore, #tpu.memory_space<semaphore_mem>>) src(%dma_wait3A_58 : memref<10000x128xf32, #tpu.memory_space<hbm>>) dst(%arg10 : memref<125x128xf32, #tpu.memory_space<vmem>>)
      %add3A_59 = arith.constant 1 : i32
      %add3A_60 = arith.addi %add3A_26, %add3A_59 : i32
      %sub3A_61 = arith.constant 40 : i32
      %sub3A_62 = arith.subi %add3A_60, %sub3A_61 : i32
      "tpu.region"() ({
        %run_scoped3A = tpu.sem_alloc : memref<!tpu.dma_semaphore, #tpu.memory_space<semaphore_mem>>
        %dma_start3A_63 = arith.constant 0 : i32
        %dma_start3A_64 = tpu.memref_slice %arg8[%sub3A_62, %dma_start3A_63] : memref<40x125xi32, #tpu.memory_space<vmem>> -> memref<1x125xi32, #tpu.memory_space<vmem>>
        %dma_start3A_65 = tpu.memref_squeeze %dma_start3A_64 : memref<1x125xi32, #tpu.memory_space<vmem>> -> memref<125xi32, #tpu.memory_space<vmem>>
        %dma_start3A_66 = arith.constant 0 : i32
        %dma_start3A_67 = arith.constant 0 : i32
        %dma_start3A_68 = tpu.memref_slice %arg11[%dma_start3A_66, %dma_start3A_67] : memref<10240x128xf32, #tpu.memory_space<vmem_shared>> -> memref<10240x128xf32, #tpu.memory_space<vmem_shared>>
        tpu.enqueue_indirect_dma source(%arg10 : memref<125x128xf32, #tpu.memory_space<vmem>>) target(%dma_start3A_68 : memref<10240x128xf32, #tpu.memory_space<vmem_shared>>) offsets(%dma_start3A_65 : memref<125xi32, #tpu.memory_space<vmem>>) semaphore(%run_scoped3A : memref<!tpu.dma_semaphore, #tpu.memory_space<semaphore_mem>>) {add = true}
        %dma_wait3A_69 = arith.constant 0 : i32
        %dma_wait3A_70 = tpu.memref_slice %arg8[%sub3A_62, %dma_wait3A_69] : memref<40x125xi32, #tpu.memory_space<vmem>> -> memref<1x125xi32, #tpu.memory_space<vmem>>
        %dma_wait3A_71 = tpu.memref_squeeze %dma_wait3A_70 : memref<1x125xi32, #tpu.memory_space<vmem>> -> memref<125xi32, #tpu.memory_space<vmem>>
        %dma_wait3A_72 = arith.constant 0 : i32
        %dma_wait3A_73 = arith.constant 0 : i32
        %dma_wait3A_74 = tpu.memref_slice %arg11[%dma_wait3A_72, %dma_wait3A_73] : memref<10240x128xf32, #tpu.memory_space<vmem_shared>> -> memref<10240x128xf32, #tpu.memory_space<vmem_shared>>
        tpu.wait_indirect_dma semaphore(%run_scoped3A : memref<!tpu.dma_semaphore, #tpu.memory_space<semaphore_mem>>) src(%arg10 : memref<125x128xf32, #tpu.memory_space<vmem>>) dst(%dma_wait3A_74 : memref<10240x128xf32, #tpu.memory_space<vmem_shared>>)
        tpu.yield
      }) : () -> ()
    }
    %scan3A_15 = arith.constant 20 : i32
    %dma_wait3A = arith.constant 79 : i32
    %dma_wait3A_16 = arith.constant 0 : i32
    %dma_wait3A_17 = tpu.memref_slice %arg7[%dma_wait3A, %dma_wait3A_16] : memref<80x125xi32, #tpu.memory_space<vmem>> -> memref<1x125xi32, #tpu.memory_space<vmem>>
    %dma_wait3A_18 = tpu.memref_squeeze %dma_wait3A_17 : memref<1x125xi32, #tpu.memory_space<vmem>> -> memref<125xi32, #tpu.memory_space<vmem>>
    %dma_wait3A_19 = arith.constant 0 : i32
    %dma_wait3A_20 = arith.constant 0 : i32
    %dma_wait3A_21 = tpu.memref_slice %arg2[%dma_wait3A_19, %dma_wait3A_20] : memref<10000x128xf32, #tpu.memory_space<hbm>> -> memref<10000x128xf32, #tpu.memory_space<hbm>>
    tpu.wait_indirect_dma semaphore(%arg12 : memref<!tpu.dma_semaphore, #tpu.memory_space<semaphore_mem>>) src(%dma_wait3A_21 : memref<10000x128xf32, #tpu.memory_space<hbm>>) dst(%arg9 : memref<125x128xf32, #tpu.memory_space<vmem>>)
    %barrier3A_22 = arith.constant 0 : index
    tpu.barrier barrier_id(%barrier3A_22)
    "tpu.region"() ({
      %run_scoped3A = tpu.sem_alloc : memref<!tpu.dma_semaphore, #tpu.memory_space<semaphore_mem>>
      %dma_start3A_23 = arith.constant 0 : i32
      %dma_start3A_24 = tpu.memref_slice %arg6[%arg0, %mul3A_0, %dma_start3A_23] : memref<2x10240x128xf32, #tpu.memory_space<hbm>> -> memref<1x640x128xf32, #tpu.memory_space<hbm>>
      %dma_start3A_25 = tpu.memref_squeeze %dma_start3A_24 : memref<1x640x128xf32, #tpu.memory_space<hbm>> -> memref<640x128xf32, #tpu.memory_space<hbm>>
      %dma_start3A_26 = arith.constant 0 : i32
      %dma_start3A_27 = tpu.memref_slice %arg11[%mul3A_0, %dma_start3A_26] : memref<10240x128xf32, #tpu.memory_space<vmem_shared>> -> memref<640x128xf32, #tpu.memory_space<vmem_shared>>
      tpu.enqueue_dma source(%dma_start3A_27 : memref<640x128xf32, #tpu.memory_space<vmem_shared>>) target(%dma_start3A_25 : memref<640x128xf32, #tpu.memory_space<hbm>>) target_semaphore(%run_scoped3A : memref<!tpu.dma_semaphore, #tpu.memory_space<semaphore_mem>>)
      %dma_wait3A_28 = arith.constant 0 : i32
      %dma_wait3A_29 = tpu.memref_slice %arg6[%arg0, %mul3A_0, %dma_wait3A_28] : memref<2x10240x128xf32, #tpu.memory_space<hbm>> -> memref<1x640x128xf32, #tpu.memory_space<hbm>>
      %dma_wait3A_30 = tpu.memref_squeeze %dma_wait3A_29 : memref<1x640x128xf32, #tpu.memory_space<hbm>> -> memref<640x128xf32, #tpu.memory_space<hbm>>
      %dma_wait3A_31 = arith.constant 0 : i32
      %dma_wait3A_32 = tpu.memref_slice %arg11[%mul3A_0, %dma_wait3A_31] : memref<10240x128xf32, #tpu.memory_space<vmem_shared>> -> memref<640x128xf32, #tpu.memory_space<vmem_shared>>
      tpu.wait_dma2 semaphore(%run_scoped3A : memref<!tpu.dma_semaphore, #tpu.memory_space<semaphore_mem>>) src(%dma_wait3A_32 : memref<640x128xf32, #tpu.memory_space<vmem_shared>>) dst(%dma_wait3A_30 : memref<640x128xf32, #tpu.memory_space<hbm>>)
      tpu.yield
    }) : () -> ()
    return
  }
}

#map = affine_map<(d0, d1) -> (0, 0, 0, 0)>
#map1 = affine_map<(d0, d1) -> (0, 0)>
#map2 = affine_map<(d0, d1) -> (0, 0, 0)>
module attributes {stable_mosaic.version = 14 : i64} {
  func.func @_count_kernel(%arg0: i32, %arg1: i32, %arg2: memref<2x16x125x80xi32, #tpu.memory_space<hbm>>, %arg3: memref<10240x128xf32, #tpu.memory_space<hbm>>, %arg4: memref<10240x128xf32, #tpu.memory_space<hbm>>, %arg5: memref<2x10240x128xf32, #tpu.memory_space<hbm>>, %arg6: memref<125x80xi32, #tpu.memory_space<vmem>>, %arg7: memref<80x128xf32, #tpu.memory_space<vmem>>, %arg8: memref<10240x128xf32, #tpu.memory_space<vmem_shared>>, %arg9: memref<!tpu.dma_semaphore, #tpu.memory_space<semaphore_mem>>) attributes {dimension_semantics = [#tpu.dimension_semantics<core_parallel>, #tpu.dimension_semantics<subcore_parallel>], iteration_bounds = array<i64: 2, 16>, scalar_prefetch = 0 : i64, scratch_operands = 4 : i64, tpu.core_type = #tpu.core_type<sc_vector_subcore>, window_params = [{transform_indices = #map}, {transform_indices = #map1}, {transform_indices = #map1}, {transform_indices = #map2}]} {
    %mul3A = arith.constant 640 : i32
    %mul3A_0 = arith.muli %arg1, %mul3A : i32
    "tpu.region"() ({
      %run_scoped3A = tpu.sem_alloc : memref<!tpu.dma_semaphore, #tpu.memory_space<semaphore_mem>>
      %dma_start3A_18 = arith.constant 0 : i32
      %dma_start3A_19 = tpu.memref_slice %arg8[%mul3A_0, %dma_start3A_18] : memref<10240x128xf32, #tpu.memory_space<vmem_shared>> -> memref<640x128xf32, #tpu.memory_space<vmem_shared>>
      %dma_start3A_20 = arith.constant 0 : i32
      %dma_start3A_21 = tpu.memref_slice %arg4[%mul3A_0, %dma_start3A_20] : memref<10240x128xf32, #tpu.memory_space<hbm>> -> memref<640x128xf32, #tpu.memory_space<hbm>>
      tpu.enqueue_dma source(%dma_start3A_21 : memref<640x128xf32, #tpu.memory_space<hbm>>) target(%dma_start3A_19 : memref<640x128xf32, #tpu.memory_space<vmem_shared>>) target_semaphore(%run_scoped3A : memref<!tpu.dma_semaphore, #tpu.memory_space<semaphore_mem>>)
      %dma_wait3A_22 = arith.constant 0 : i32
      %dma_wait3A_23 = tpu.memref_slice %arg8[%mul3A_0, %dma_wait3A_22] : memref<10240x128xf32, #tpu.memory_space<vmem_shared>> -> memref<640x128xf32, #tpu.memory_space<vmem_shared>>
      %dma_wait3A_24 = arith.constant 0 : i32
      %dma_wait3A_25 = tpu.memref_slice %arg4[%mul3A_0, %dma_wait3A_24] : memref<10240x128xf32, #tpu.memory_space<hbm>> -> memref<640x128xf32, #tpu.memory_space<hbm>>
      tpu.wait_dma2 semaphore(%run_scoped3A : memref<!tpu.dma_semaphore, #tpu.memory_space<semaphore_mem>>) src(%dma_wait3A_25 : memref<640x128xf32, #tpu.memory_space<hbm>>) dst(%dma_wait3A_23 : memref<640x128xf32, #tpu.memory_space<vmem_shared>>)
      tpu.yield
    }) : () -> ()
    "tpu.region"() ({
      %run_scoped3A = tpu.sem_alloc : memref<!tpu.dma_semaphore, #tpu.memory_space<semaphore_mem>>
      %dma_start3A_18 = arith.constant 0 : i32
      %dma_start3A_19 = arith.constant 0 : i32
      %dma_start3A_20 = tpu.memref_slice %arg2[%arg0, %arg1, %dma_start3A_18, %dma_start3A_19] : memref<2x16x125x80xi32, #tpu.memory_space<hbm>> -> memref<1x1x125x80xi32, #tpu.memory_space<hbm>>
      %dma_start3A_21 = tpu.memref_squeeze %dma_start3A_20 : memref<1x1x125x80xi32, #tpu.memory_space<hbm>> -> memref<125x80xi32, #tpu.memory_space<hbm>>
      %dma_start3A_22 = arith.constant 0 : i32
      %dma_start3A_23 = arith.constant 0 : i32
      %dma_start3A_24 = tpu.memref_slice %arg2[%arg0, %arg1, %dma_start3A_22, %dma_start3A_23] : memref<2x16x125x80xi32, #tpu.memory_space<hbm>> -> memref<1x1x125x80xi32, #tpu.memory_space<hbm>>
      %dma_start3A_25 = tpu.memref_squeeze %dma_start3A_24 : memref<1x1x125x80xi32, #tpu.memory_space<hbm>> -> memref<125x80xi32, #tpu.memory_space<hbm>>
      tpu.enqueue_dma source(%dma_start3A_25 : memref<125x80xi32, #tpu.memory_space<hbm>>) target(%arg6 : memref<125x80xi32, #tpu.memory_space<vmem>>) target_semaphore(%run_scoped3A : memref<!tpu.dma_semaphore, #tpu.memory_space<semaphore_mem>>)
      %dma_wait3A_26 = arith.constant 0 : i32
      %dma_wait3A_27 = arith.constant 0 : i32
      %dma_wait3A_28 = tpu.memref_slice %arg2[%arg0, %arg1, %dma_wait3A_26, %dma_wait3A_27] : memref<2x16x125x80xi32, #tpu.memory_space<hbm>> -> memref<1x1x125x80xi32, #tpu.memory_space<hbm>>
      %dma_wait3A_29 = tpu.memref_squeeze %dma_wait3A_28 : memref<1x1x125x80xi32, #tpu.memory_space<hbm>> -> memref<125x80xi32, #tpu.memory_space<hbm>>
      %dma_wait3A_30 = arith.constant 0 : i32
      %dma_wait3A_31 = arith.constant 0 : i32
      %dma_wait3A_32 = tpu.memref_slice %arg2[%arg0, %arg1, %dma_wait3A_30, %dma_wait3A_31] : memref<2x16x125x80xi32, #tpu.memory_space<hbm>> -> memref<1x1x125x80xi32, #tpu.memory_space<hbm>>
      %dma_wait3A_33 = tpu.memref_squeeze %dma_wait3A_32 : memref<1x1x125x80xi32, #tpu.memory_space<hbm>> -> memref<125x80xi32, #tpu.memory_space<hbm>>
      tpu.wait_dma2 semaphore(%run_scoped3A : memref<!tpu.dma_semaphore, #tpu.memory_space<semaphore_mem>>) src(%dma_wait3A_33 : memref<125x80xi32, #tpu.memory_space<hbm>>) dst(%arg6 : memref<125x80xi32, #tpu.memory_space<vmem>>)
      tpu.yield
    }) : () -> ()
    "tpu.region"() ({
      %run_scoped3A = tpu.sem_alloc : memref<!tpu.dma_semaphore, #tpu.memory_space<semaphore_mem>>
      %dma_start3A_18 = arith.constant 0 : i32
      %dma_start3A_19 = arith.constant 0 : i32
      %dma_start3A_20 = tpu.memref_slice %arg3[%dma_start3A_18, %dma_start3A_19] : memref<10240x128xf32, #tpu.memory_space<hbm>> -> memref<80x128xf32, #tpu.memory_space<hbm>>
      %dma_start3A_21 = arith.constant 0 : i32
      %dma_start3A_22 = arith.constant 0 : i32
      %dma_start3A_23 = tpu.memref_slice %arg3[%dma_start3A_21, %dma_start3A_22] : memref<10240x128xf32, #tpu.memory_space<hbm>> -> memref<80x128xf32, #tpu.memory_space<hbm>>
      tpu.enqueue_dma source(%dma_start3A_23 : memref<80x128xf32, #tpu.memory_space<hbm>>) target(%arg7 : memref<80x128xf32, #tpu.memory_space<vmem>>) target_semaphore(%run_scoped3A : memref<!tpu.dma_semaphore, #tpu.memory_space<semaphore_mem>>)
      %dma_wait3A_24 = arith.constant 0 : i32
      %dma_wait3A_25 = arith.constant 0 : i32
      %dma_wait3A_26 = tpu.memref_slice %arg3[%dma_wait3A_24, %dma_wait3A_25] : memref<10240x128xf32, #tpu.memory_space<hbm>> -> memref<80x128xf32, #tpu.memory_space<hbm>>
      %dma_wait3A_27 = arith.constant 0 : i32
      %dma_wait3A_28 = arith.constant 0 : i32
      %dma_wait3A_29 = tpu.memref_slice %arg3[%dma_wait3A_27, %dma_wait3A_28] : memref<10240x128xf32, #tpu.memory_space<hbm>> -> memref<80x128xf32, #tpu.memory_space<hbm>>
      tpu.wait_dma2 semaphore(%run_scoped3A : memref<!tpu.dma_semaphore, #tpu.memory_space<semaphore_mem>>) src(%dma_wait3A_29 : memref<80x128xf32, #tpu.memory_space<hbm>>) dst(%arg7 : memref<80x128xf32, #tpu.memory_space<vmem>>)
      tpu.yield
    }) : () -> ()
    %barrier3A = arith.constant 0 : index
    tpu.barrier barrier_id(%barrier3A)
    %dma_start3A = arith.constant 0 : i32
    %dma_start3A_1 = arith.constant 0 : i32
    %dma_start3A_2 = tpu.memref_slice %arg6[%dma_start3A, %dma_start3A_1] : memref<125x80xi32, #tpu.memory_space<vmem>> -> memref<1x80xi32, #tpu.memory_space<vmem>>
    %dma_start3A_3 = tpu.memref_squeeze %dma_start3A_2 : memref<1x80xi32, #tpu.memory_space<vmem>> -> memref<80xi32, #tpu.memory_space<vmem>>
    %dma_start3A_4 = arith.constant 0 : i32
    %dma_start3A_5 = arith.constant 0 : i32
    %dma_start3A_6 = tpu.memref_slice %arg8[%dma_start3A_4, %dma_start3A_5] : memref<10240x128xf32, #tpu.memory_space<vmem_shared>> -> memref<10240x128xf32, #tpu.memory_space<vmem_shared>>
    tpu.enqueue_indirect_dma source(%arg7 : memref<80x128xf32, #tpu.memory_space<vmem>>) target(%dma_start3A_6 : memref<10240x128xf32, #tpu.memory_space<vmem_shared>>) offsets(%dma_start3A_3 : memref<80xi32, #tpu.memory_space<vmem>>) semaphore(%arg9 : memref<!tpu.dma_semaphore, #tpu.memory_space<semaphore_mem>>) {add = true}
    %scan3A = arith.constant 0 : i32
    %scan3A_7 = arith.constant 124 : i32
    %scan3A_8 = arith.addi %scan3A, %scan3A_7 : i32
    %scan3A_9 = arith.constant 1 : i32
    scf.for %scan3A_18 = %scan3A to %scan3A_8 step %scan3A_9  : i32 {
      %mul3A_19 = arith.constant 1 : i32
      %mul3A_20 = arith.muli %scan3A_18, %mul3A_19 : i32
      %add3A = arith.constant 1 : i32
      %add3A_21 = arith.addi %add3A, %mul3A_20 : i32
      %dma_start3A_22 = arith.constant 0 : i32
      %dma_start3A_23 = tpu.memref_slice %arg6[%add3A_21, %dma_start3A_22] : memref<125x80xi32, #tpu.memory_space<vmem>> -> memref<1x80xi32, #tpu.memory_space<vmem>>
      %dma_start3A_24 = tpu.memref_squeeze %dma_start3A_23 : memref<1x80xi32, #tpu.memory_space<vmem>> -> memref<80xi32, #tpu.memory_space<vmem>>
      %dma_start3A_25 = arith.constant 0 : i32
      %dma_start3A_26 = arith.constant 0 : i32
      %dma_start3A_27 = tpu.memref_slice %arg8[%dma_start3A_25, %dma_start3A_26] : memref<10240x128xf32, #tpu.memory_space<vmem_shared>> -> memref<10240x128xf32, #tpu.memory_space<vmem_shared>>
      tpu.enqueue_indirect_dma source(%arg7 : memref<80x128xf32, #tpu.memory_space<vmem>>) target(%dma_start3A_27 : memref<10240x128xf32, #tpu.memory_space<vmem_shared>>) offsets(%dma_start3A_24 : memref<80xi32, #tpu.memory_space<vmem>>) semaphore(%arg9 : memref<!tpu.dma_semaphore, #tpu.memory_space<semaphore_mem>>) {add = true}
      %dma_wait3A_28 = arith.constant 0 : i32
      %dma_wait3A_29 = arith.constant 0 : i32
      %dma_wait3A_30 = tpu.memref_slice %arg6[%dma_wait3A_28, %dma_wait3A_29] : memref<125x80xi32, #tpu.memory_space<vmem>> -> memref<1x80xi32, #tpu.memory_space<vmem>>
      %dma_wait3A_31 = tpu.memref_squeeze %dma_wait3A_30 : memref<1x80xi32, #tpu.memory_space<vmem>> -> memref<80xi32, #tpu.memory_space<vmem>>
      %dma_wait3A_32 = arith.constant 0 : i32
      %dma_wait3A_33 = arith.constant 0 : i32
      %dma_wait3A_34 = tpu.memref_slice %arg8[%dma_wait3A_32, %dma_wait3A_33] : memref<10240x128xf32, #tpu.memory_space<vmem_shared>> -> memref<10240x128xf32, #tpu.memory_space<vmem_shared>>
      tpu.wait_indirect_dma semaphore(%arg9 : memref<!tpu.dma_semaphore, #tpu.memory_space<semaphore_mem>>) src(%arg7 : memref<80x128xf32, #tpu.memory_space<vmem>>) dst(%dma_wait3A_34 : memref<10240x128xf32, #tpu.memory_space<vmem_shared>>)
    }
    %scan3A_10 = arith.constant 124 : i32
    %dma_wait3A = arith.constant 0 : i32
    %dma_wait3A_11 = arith.constant 0 : i32
    %dma_wait3A_12 = tpu.memref_slice %arg6[%dma_wait3A, %dma_wait3A_11] : memref<125x80xi32, #tpu.memory_space<vmem>> -> memref<1x80xi32, #tpu.memory_space<vmem>>
    %dma_wait3A_13 = tpu.memref_squeeze %dma_wait3A_12 : memref<1x80xi32, #tpu.memory_space<vmem>> -> memref<80xi32, #tpu.memory_space<vmem>>
    %dma_wait3A_14 = arith.constant 0 : i32
    %dma_wait3A_15 = arith.constant 0 : i32
    %dma_wait3A_16 = tpu.memref_slice %arg8[%dma_wait3A_14, %dma_wait3A_15] : memref<10240x128xf32, #tpu.memory_space<vmem_shared>> -> memref<10240x128xf32, #tpu.memory_space<vmem_shared>>
    tpu.wait_indirect_dma semaphore(%arg9 : memref<!tpu.dma_semaphore, #tpu.memory_space<semaphore_mem>>) src(%arg7 : memref<80x128xf32, #tpu.memory_space<vmem>>) dst(%dma_wait3A_16 : memref<10240x128xf32, #tpu.memory_space<vmem_shared>>)
    %barrier3A_17 = arith.constant 0 : index
    tpu.barrier barrier_id(%barrier3A_17)
    "tpu.region"() ({
      %run_scoped3A = tpu.sem_alloc : memref<!tpu.dma_semaphore, #tpu.memory_space<semaphore_mem>>
      %dma_start3A_18 = arith.constant 0 : i32
      %dma_start3A_19 = tpu.memref_slice %arg5[%arg0, %mul3A_0, %dma_start3A_18] : memref<2x10240x128xf32, #tpu.memory_space<hbm>> -> memref<1x640x128xf32, #tpu.memory_space<hbm>>
      %dma_start3A_20 = tpu.memref_squeeze %dma_start3A_19 : memref<1x640x128xf32, #tpu.memory_space<hbm>> -> memref<640x128xf32, #tpu.memory_space<hbm>>
      %dma_start3A_21 = arith.constant 0 : i32
      %dma_start3A_22 = tpu.memref_slice %arg8[%mul3A_0, %dma_start3A_21] : memref<10240x128xf32, #tpu.memory_space<vmem_shared>> -> memref<640x128xf32, #tpu.memory_space<vmem_shared>>
      tpu.enqueue_dma source(%dma_start3A_22 : memref<640x128xf32, #tpu.memory_space<vmem_shared>>) target(%dma_start3A_20 : memref<640x128xf32, #tpu.memory_space<hbm>>) target_semaphore(%run_scoped3A : memref<!tpu.dma_semaphore, #tpu.memory_space<semaphore_mem>>)
      %dma_wait3A_23 = arith.constant 0 : i32
      %dma_wait3A_24 = tpu.memref_slice %arg5[%arg0, %mul3A_0, %dma_wait3A_23] : memref<2x10240x128xf32, #tpu.memory_space<hbm>> -> memref<1x640x128xf32, #tpu.memory_space<hbm>>
      %dma_wait3A_25 = tpu.memref_squeeze %dma_wait3A_24 : memref<1x640x128xf32, #tpu.memory_space<hbm>> -> memref<640x128xf32, #tpu.memory_space<hbm>>
      %dma_wait3A_26 = arith.constant 0 : i32
      %dma_wait3A_27 = tpu.memref_slice %arg8[%mul3A_0, %dma_wait3A_26] : memref<10240x128xf32, #tpu.memory_space<vmem_shared>> -> memref<640x128xf32, #tpu.memory_space<vmem_shared>>
      tpu.wait_dma2 semaphore(%run_scoped3A : memref<!tpu.dma_semaphore, #tpu.memory_space<semaphore_mem>>) src(%dma_wait3A_27 : memref<640x128xf32, #tpu.memory_space<vmem_shared>>) dst(%dma_wait3A_25 : memref<640x128xf32, #tpu.memory_space<hbm>>)
      tpu.yield
    }) : () -> ()
    return
  }
}

#map = affine_map<(d0, d1) -> (0, 0)>
#map1 = affine_map<(d0, d1) -> (0, 0, 0, 0)>
#map2 = affine_map<(d0, d1) -> (0, 0, 0)>
module attributes {stable_mosaic.version = 14 : i64} {
  func.func @_scatter_kernel(%arg0: i32, %arg1: i32, %arg2: memref<10000x128xf32, #tpu.memory_space<hbm>>, %arg3: memref<2x16x80x125xi32, #tpu.memory_space<hbm>>, %arg4: memref<2x16x80x125xi32, #tpu.memory_space<hbm>>, %arg5: memref<10240x128xf32, #tpu.memory_space<hbm>>, %arg6: memref<2x10240x128xf32, #tpu.memory_space<hbm>>, %arg7: memref<80x125xi32, #tpu.memory_space<vmem>>, %arg8: memref<40x125xi32, #tpu.memory_space<vmem>>, %arg9: memref<125x128xf32, #tpu.memory_space<vmem>>, %arg10: memref<125x128xf32, #tpu.memory_space<vmem>>, %arg11: memref<10240x128xf32, #tpu.memory_space<vmem_shared>>, %arg12: memref<!tpu.dma_semaphore, #tpu.memory_space<semaphore_mem>>, %arg13: memref<!tpu.dma_semaphore, #tpu.memory_space<semaphore_mem>>) attributes {dimension_semantics = [#tpu.dimension_semantics<core_parallel>, #tpu.dimension_semantics<subcore_parallel>], iteration_bounds = array<i64: 2, 16>, scalar_prefetch = 0 : i64, scratch_operands = 7 : i64, tpu.core_type = #tpu.core_type<sc_vector_subcore>, window_params = [{transform_indices = #map}, {transform_indices = #map1}, {transform_indices = #map1}, {transform_indices = #map}, {transform_indices = #map2}]} {
    %mul3A = arith.constant 640 : i32
    %mul3A_0 = arith.muli %arg1, %mul3A : i32
    "tpu.region"() ({
      %run_scoped3A = tpu.sem_alloc : memref<!tpu.dma_semaphore, #tpu.memory_space<semaphore_mem>>
      %dma_start3A_23 = arith.constant 0 : i32
      %dma_start3A_24 = tpu.memref_slice %arg11[%mul3A_0, %dma_start3A_23] : memref<10240x128xf32, #tpu.memory_space<vmem_shared>> -> memref<640x128xf32, #tpu.memory_space<vmem_shared>>
      %dma_start3A_25 = arith.constant 0 : i32
      %dma_start3A_26 = tpu.memref_slice %arg5[%mul3A_0, %dma_start3A_25] : memref<10240x128xf32, #tpu.memory_space<hbm>> -> memref<640x128xf32, #tpu.memory_space<hbm>>
      tpu.enqueue_dma source(%dma_start3A_26 : memref<640x128xf32, #tpu.memory_space<hbm>>) target(%dma_start3A_24 : memref<640x128xf32, #tpu.memory_space<vmem_shared>>) target_semaphore(%run_scoped3A : memref<!tpu.dma_semaphore, #tpu.memory_space<semaphore_mem>>)
      %dma_wait3A_27 = arith.constant 0 : i32
      %dma_wait3A_28 = tpu.memref_slice %arg11[%mul3A_0, %dma_wait3A_27] : memref<10240x128xf32, #tpu.memory_space<vmem_shared>> -> memref<640x128xf32, #tpu.memory_space<vmem_shared>>
      %dma_wait3A_29 = arith.constant 0 : i32
      %dma_wait3A_30 = tpu.memref_slice %arg5[%mul3A_0, %dma_wait3A_29] : memref<10240x128xf32, #tpu.memory_space<hbm>> -> memref<640x128xf32, #tpu.memory_space<hbm>>
      tpu.wait_dma2 semaphore(%run_scoped3A : memref<!tpu.dma_semaphore, #tpu.memory_space<semaphore_mem>>) src(%dma_wait3A_30 : memref<640x128xf32, #tpu.memory_space<hbm>>) dst(%dma_wait3A_28 : memref<640x128xf32, #tpu.memory_space<vmem_shared>>)
      tpu.yield
    }) : () -> ()
    "tpu.region"() ({
      %run_scoped3A = tpu.sem_alloc : memref<!tpu.dma_semaphore, #tpu.memory_space<semaphore_mem>>
      %dma_start3A_23 = arith.constant 0 : i32
      %dma_start3A_24 = arith.constant 0 : i32
      %dma_start3A_25 = tpu.memref_slice %arg3[%arg0, %arg1, %dma_start3A_23, %dma_start3A_24] : memref<2x16x80x125xi32, #tpu.memory_space<hbm>> -> memref<1x1x80x125xi32, #tpu.memory_space<hbm>>
      %dma_start3A_26 = tpu.memref_squeeze %dma_start3A_25 : memref<1x1x80x125xi32, #tpu.memory_space<hbm>> -> memref<80x125xi32, #tpu.memory_space<hbm>>
      %dma_start3A_27 = arith.constant 0 : i32
      %dma_start3A_28 = arith.constant 0 : i32
      %dma_start3A_29 = tpu.memref_slice %arg3[%arg0, %arg1, %dma_start3A_27, %dma_start3A_28] : memref<2x16x80x125xi32, #tpu.memory_space<hbm>> -> memref<1x1x80x125xi32, #tpu.memory_space<hbm>>
      %dma_start3A_30 = tpu.memref_squeeze %dma_start3A_29 : memref<1x1x80x125xi32, #tpu.memory_space<hbm>> -> memref<80x125xi32, #tpu.memory_space<hbm>>
      tpu.enqueue_dma source(%dma_start3A_30 : memref<80x125xi32, #tpu.memory_space<hbm>>) target(%arg7 : memref<80x125xi32, #tpu.memory_space<vmem>>) target_semaphore(%run_scoped3A : memref<!tpu.dma_semaphore, #tpu.memory_space<semaphore_mem>>)
      %dma_wait3A_31 = arith.constant 0 : i32
      %dma_wait3A_32 = arith.constant 0 : i32
      %dma_wait3A_33 = tpu.memref_slice %arg3[%arg0, %arg1, %dma_wait3A_31, %dma_wait3A_32] : memref<2x16x80x125xi32, #tpu.memory_space<hbm>> -> memref<1x1x80x125xi32, #tpu.memory_space<hbm>>
      %dma_wait3A_34 = tpu.memref_squeeze %dma_wait3A_33 : memref<1x1x80x125xi32, #tpu.memory_space<hbm>> -> memref<80x125xi32, #tpu.memory_space<hbm>>
      %dma_wait3A_35 = arith.constant 0 : i32
      %dma_wait3A_36 = arith.constant 0 : i32
      %dma_wait3A_37 = tpu.memref_slice %arg3[%arg0, %arg1, %dma_wait3A_35, %dma_wait3A_36] : memref<2x16x80x125xi32, #tpu.memory_space<hbm>> -> memref<1x1x80x125xi32, #tpu.memory_space<hbm>>
      %dma_wait3A_38 = tpu.memref_squeeze %dma_wait3A_37 : memref<1x1x80x125xi32, #tpu.memory_space<hbm>> -> memref<80x125xi32, #tpu.memory_space<hbm>>
      tpu.wait_dma2 semaphore(%run_scoped3A : memref<!tpu.dma_semaphore, #tpu.memory_space<semaphore_mem>>) src(%dma_wait3A_38 : memref<80x125xi32, #tpu.memory_space<hbm>>) dst(%arg7 : memref<80x125xi32, #tpu.memory_space<vmem>>)
      tpu.yield
    }) : () -> ()
    "tpu.region"() ({
      %run_scoped3A = tpu.sem_alloc : memref<!tpu.dma_semaphore, #tpu.memory_space<semaphore_mem>>
      %dma_start3A_23 = arith.constant 0 : i32
      %dma_start3A_24 = arith.constant 0 : i32
      %dma_start3A_25 = tpu.memref_slice %arg4[%arg0, %arg1, %dma_start3A_23, %dma_start3A_24] : memref<2x16x80x125xi32, #tpu.memory_space<hbm>> -> memref<1x1x40x125xi32, #tpu.memory_space<hbm>>
      %dma_start3A_26 = tpu.memref_squeeze %dma_start3A_25 : memref<1x1x40x125xi32, #tpu.memory_space<hbm>> -> memref<40x125xi32, #tpu.memory_space<hbm>>
      %dma_start3A_27 = arith.constant 0 : i32
      %dma_start3A_28 = arith.constant 0 : i32
      %dma_start3A_29 = tpu.memref_slice %arg4[%arg0, %arg1, %dma_start3A_27, %dma_start3A_28] : memref<2x16x80x125xi32, #tpu.memory_space<hbm>> -> memref<1x1x40x125xi32, #tpu.memory_space<hbm>>
      %dma_start3A_30 = tpu.memref_squeeze %dma_start3A_29 : memref<1x1x40x125xi32, #tpu.memory_space<hbm>> -> memref<40x125xi32, #tpu.memory_space<hbm>>
      tpu.enqueue_dma source(%dma_start3A_30 : memref<40x125xi32, #tpu.memory_space<hbm>>) target(%arg8 : memref<40x125xi32, #tpu.memory_space<vmem>>) target_semaphore(%run_scoped3A : memref<!tpu.dma_semaphore, #tpu.memory_space<semaphore_mem>>)
      %dma_wait3A_31 = arith.constant 0 : i32
      %dma_wait3A_32 = arith.constant 0 : i32
      %dma_wait3A_33 = tpu.memref_slice %arg4[%arg0, %arg1, %dma_wait3A_31, %dma_wait3A_32] : memref<2x16x80x125xi32, #tpu.memory_space<hbm>> -> memref<1x1x40x125xi32, #tpu.memory_space<hbm>>
      %dma_wait3A_34 = tpu.memref_squeeze %dma_wait3A_33 : memref<1x1x40x125xi32, #tpu.memory_space<hbm>> -> memref<40x125xi32, #tpu.memory_space<hbm>>
      %dma_wait3A_35 = arith.constant 0 : i32
      %dma_wait3A_36 = arith.constant 0 : i32
      %dma_wait3A_37 = tpu.memref_slice %arg4[%arg0, %arg1, %dma_wait3A_35, %dma_wait3A_36] : memref<2x16x80x125xi32, #tpu.memory_space<hbm>> -> memref<1x1x40x125xi32, #tpu.memory_space<hbm>>
      %dma_wait3A_38 = tpu.memref_squeeze %dma_wait3A_37 : memref<1x1x40x125xi32, #tpu.memory_space<hbm>> -> memref<40x125xi32, #tpu.memory_space<hbm>>
      tpu.wait_dma2 semaphore(%run_scoped3A : memref<!tpu.dma_semaphore, #tpu.memory_space<semaphore_mem>>) src(%dma_wait3A_38 : memref<40x125xi32, #tpu.memory_space<hbm>>) dst(%arg8 : memref<40x125xi32, #tpu.memory_space<vmem>>)
      tpu.yield
    }) : () -> ()
    %barrier3A = arith.constant 0 : index
    tpu.barrier barrier_id(%barrier3A)
    %dma_start3A = arith.constant 0 : i32
    %dma_start3A_1 = arith.constant 0 : i32
    %dma_start3A_2 = tpu.memref_slice %arg7[%dma_start3A, %dma_start3A_1] : memref<80x125xi32, #tpu.memory_space<vmem>> -> memref<1x125xi32, #tpu.memory_space<vmem>>
    %dma_start3A_3 = tpu.memref_squeeze %dma_start3A_2 : memref<1x125xi32, #tpu.memory_space<vmem>> -> memref<125xi32, #tpu.memory_space<vmem>>
    %dma_start3A_4 = arith.constant 0 : i32
    %dma_start3A_5 = arith.constant 0 : i32
    %dma_start3A_6 = tpu.memref_slice %arg2[%dma_start3A_4, %dma_start3A_5] : memref<10000x128xf32, #tpu.memory_space<hbm>> -> memref<10000x128xf32, #tpu.memory_space<hbm>>
    tpu.enqueue_indirect_dma source(%dma_start3A_6 : memref<10000x128xf32, #tpu.memory_space<hbm>>) target(%arg9 : memref<125x128xf32, #tpu.memory_space<vmem>>) offsets(%dma_start3A_3 : memref<125xi32, #tpu.memory_space<vmem>>) semaphore(%arg12 : memref<!tpu.dma_semaphore, #tpu.memory_space<semaphore_mem>>)
    %scan3A = arith.constant 0 : i32
    %scan3A_7 = arith.constant 20 : i32
    %scan3A_8 = arith.addi %scan3A, %scan3A_7 : i32
    %scan3A_9 = arith.constant 1 : i32
    scf.for %scan3A_23 = %scan3A to %scan3A_8 step %scan3A_9  : i32 {
      %mul3A_24 = arith.constant 2 : i32
      %mul3A_25 = arith.muli %scan3A_23, %mul3A_24 : i32
      %add3A = arith.constant 0 : i32
      %add3A_26 = arith.addi %add3A, %mul3A_25 : i32
      %add3A_27 = arith.constant 1 : i32
      %add3A_28 = arith.addi %add3A_26, %add3A_27 : i32
      %dma_start3A_29 = arith.constant 0 : i32
      %dma_start3A_30 = tpu.memref_slice %arg7[%add3A_28, %dma_start3A_29] : memref<80x125xi32, #tpu.memory_space<vmem>> -> memref<1x125xi32, #tpu.memory_space<vmem>>
      %dma_start3A_31 = tpu.memref_squeeze %dma_start3A_30 : memref<1x125xi32, #tpu.memory_space<vmem>> -> memref<125xi32, #tpu.memory_space<vmem>>
      %dma_start3A_32 = arith.constant 0 : i32
      %dma_start3A_33 = arith.constant 0 : i32
      %dma_start3A_34 = tpu.memref_slice %arg2[%dma_start3A_32, %dma_start3A_33] : memref<10000x128xf32, #tpu.memory_space<hbm>> -> memref<10000x128xf32, #tpu.memory_space<hbm>>
      tpu.enqueue_indirect_dma source(%dma_start3A_34 : memref<10000x128xf32, #tpu.memory_space<hbm>>) target(%arg10 : memref<125x128xf32, #tpu.memory_space<vmem>>) offsets(%dma_start3A_31 : memref<125xi32, #tpu.memory_space<vmem>>) semaphore(%arg13 : memref<!tpu.dma_semaphore, #tpu.memory_space<semaphore_mem>>)
      %dma_wait3A_35 = arith.constant 0 : i32
      %dma_wait3A_36 = tpu.memref_slice %arg7[%add3A_26, %dma_wait3A_35] : memref<80x125xi32, #tpu.memory_space<vmem>> -> memref<1x125xi32, #tpu.memory_space<vmem>>
      %dma_wait3A_37 = tpu.memref_squeeze %dma_wait3A_36 : memref<1x125xi32, #tpu.memory_space<vmem>> -> memref<125xi32, #tpu.memory_space<vmem>>
      %dma_wait3A_38 = arith.constant 0 : i32
      %dma_wait3A_39 = arith.constant 0 : i32
      %dma_wait3A_40 = tpu.memref_slice %arg2[%dma_wait3A_38, %dma_wait3A_39] : memref<10000x128xf32, #tpu.memory_space<hbm>> -> memref<10000x128xf32, #tpu.memory_space<hbm>>
      tpu.wait_indirect_dma semaphore(%arg12 : memref<!tpu.dma_semaphore, #tpu.memory_space<semaphore_mem>>) src(%dma_wait3A_40 : memref<10000x128xf32, #tpu.memory_space<hbm>>) dst(%arg9 : memref<125x128xf32, #tpu.memory_space<vmem>>)
      %sub3A = arith.constant 0 : i32
      %sub3A_41 = arith.subi %add3A_26, %sub3A : i32
      "tpu.region"() ({
        %run_scoped3A = tpu.sem_alloc : memref<!tpu.dma_semaphore, #tpu.memory_space<semaphore_mem>>
        %dma_start3A_63 = arith.constant 0 : i32
        %dma_start3A_64 = tpu.memref_slice %arg8[%sub3A_41, %dma_start3A_63] : memref<40x125xi32, #tpu.memory_space<vmem>> -> memref<1x125xi32, #tpu.memory_space<vmem>>
        %dma_start3A_65 = tpu.memref_squeeze %dma_start3A_64 : memref<1x125xi32, #tpu.memory_space<vmem>> -> memref<125xi32, #tpu.memory_space<vmem>>
        %dma_start3A_66 = arith.constant 0 : i32
        %dma_start3A_67 = arith.constant 0 : i32
        %dma_start3A_68 = tpu.memref_slice %arg11[%dma_start3A_66, %dma_start3A_67] : memref<10240x128xf32, #tpu.memory_space<vmem_shared>> -> memref<10240x128xf32, #tpu.memory_space<vmem_shared>>
        tpu.enqueue_indirect_dma source(%arg9 : memref<125x128xf32, #tpu.memory_space<vmem>>) target(%dma_start3A_68 : memref<10240x128xf32, #tpu.memory_space<vmem_shared>>) offsets(%dma_start3A_65 : memref<125xi32, #tpu.memory_space<vmem>>) semaphore(%run_scoped3A : memref<!tpu.dma_semaphore, #tpu.memory_space<semaphore_mem>>) {add = true}
        %dma_wait3A_69 = arith.constant 0 : i32
        %dma_wait3A_70 = tpu.memref_slice %arg8[%sub3A_41, %dma_wait3A_69] : memref<40x125xi32, #tpu.memory_space<vmem>> -> memref<1x125xi32, #tpu.memory_space<vmem>>
        %dma_wait3A_71 = tpu.memref_squeeze %dma_wait3A_70 : memref<1x125xi32, #tpu.memory_space<vmem>> -> memref<125xi32, #tpu.memory_space<vmem>>
        %dma_wait3A_72 = arith.constant 0 : i32
        %dma_wait3A_73 = arith.constant 0 : i32
        %dma_wait3A_74 = tpu.memref_slice %arg11[%dma_wait3A_72, %dma_wait3A_73] : memref<10240x128xf32, #tpu.memory_space<vmem_shared>> -> memref<10240x128xf32, #tpu.memory_space<vmem_shared>>
        tpu.wait_indirect_dma semaphore(%run_scoped3A : memref<!tpu.dma_semaphore, #tpu.memory_space<semaphore_mem>>) src(%arg9 : memref<125x128xf32, #tpu.memory_space<vmem>>) dst(%dma_wait3A_74 : memref<10240x128xf32, #tpu.memory_space<vmem_shared>>)
        tpu.yield
      }) : () -> ()
      %add3A_42 = arith.constant 2 : i32
      %add3A_43 = arith.addi %add3A_26, %add3A_42 : i32
      %min3A = arith.constant 79 : i32
      %min3A_44 = arith.minsi %add3A_43, %min3A : i32
      %dma_start3A_45 = arith.constant 0 : i32
      %dma_start3A_46 = tpu.memref_slice %arg7[%min3A_44, %dma_start3A_45] : memref<80x125xi32, #tpu.memory_space<vmem>> -> memref<1x125xi32, #tpu.memory_space<vmem>>
      %dma_start3A_47 = tpu.memref_squeeze %dma_start3A_46 : memref<1x125xi32, #tpu.memory_space<vmem>> -> memref<125xi32, #tpu.memory_space<vmem>>
      %dma_start3A_48 = arith.constant 0 : i32
      %dma_start3A_49 = arith.constant 0 : i32
      %dma_start3A_50 = tpu.memref_slice %arg2[%dma_start3A_48, %dma_start3A_49] : memref<10000x128xf32, #tpu.memory_space<hbm>> -> memref<10000x128xf32, #tpu.memory_space<hbm>>
      tpu.enqueue_indirect_dma source(%dma_start3A_50 : memref<10000x128xf32, #tpu.memory_space<hbm>>) target(%arg9 : memref<125x128xf32, #tpu.memory_space<vmem>>) offsets(%dma_start3A_47 : memref<125xi32, #tpu.memory_space<vmem>>) semaphore(%arg12 : memref<!tpu.dma_semaphore, #tpu.memory_space<semaphore_mem>>)
      %add3A_51 = arith.constant 1 : i32
      %add3A_52 = arith.addi %add3A_26, %add3A_51 : i32
      %dma_wait3A_53 = arith.constant 0 : i32
      %dma_wait3A_54 = tpu.memref_slice %arg7[%add3A_52, %dma_wait3A_53] : memref<80x125xi32, #tpu.memory_space<vmem>> -> memref<1x125xi32, #tpu.memory_space<vmem>>
      %dma_wait3A_55 = tpu.memref_squeeze %dma_wait3A_54 : memref<1x125xi32, #tpu.memory_space<vmem>> -> memref<125xi32, #tpu.memory_space<vmem>>
      %dma_wait3A_56 = arith.constant 0 : i32
      %dma_wait3A_57 = arith.constant 0 : i32
      %dma_wait3A_58 = tpu.memref_slice %arg2[%dma_wait3A_56, %dma_wait3A_57] : memref<10000x128xf32, #tpu.memory_space<hbm>> -> memref<10000x128xf32, #tpu.memory_space<hbm>>
      tpu.wait_indirect_dma semaphore(%arg13 : memref<!tpu.dma_semaphore, #tpu.memory_space<semaphore_mem>>) src(%dma_wait3A_58 : memref<10000x128xf32, #tpu.memory_space<hbm>>) dst(%arg10 : memref<125x128xf32, #tpu.memory_space<vmem>>)
      %add3A_59 = arith.constant 1 : i32
      %add3A_60 = arith.addi %add3A_26, %add3A_59 : i32
      %sub3A_61 = arith.constant 0 : i32
      %sub3A_62 = arith.subi %add3A_60, %sub3A_61 : i32
      "tpu.region"() ({
        %run_scoped3A = tpu.sem_alloc : memref<!tpu.dma_semaphore, #tpu.memory_space<semaphore_mem>>
        %dma_start3A_63 = arith.constant 0 : i32
        %dma_start3A_64 = tpu.memref_slice %arg8[%sub3A_62, %dma_start3A_63] : memref<40x125xi32, #tpu.memory_space<vmem>> -> memref<1x125xi32, #tpu.memory_space<vmem>>
        %dma_start3A_65 = tpu.memref_squeeze %dma_start3A_64 : memref<1x125xi32, #tpu.memory_space<vmem>> -> memref<125xi32, #tpu.memory_space<vmem>>
        %dma_start3A_66 = arith.constant 0 : i32
        %dma_start3A_67 = arith.constant 0 : i32
        %dma_start3A_68 = tpu.memref_slice %arg11[%dma_start3A_66, %dma_start3A_67] : memref<10240x128xf32, #tpu.memory_space<vmem_shared>> -> memref<10240x128xf32, #tpu.memory_space<vmem_shared>>
        tpu.enqueue_indirect_dma source(%arg10 : memref<125x128xf32, #tpu.memory_space<vmem>>) target(%dma_start3A_68 : memref<10240x128xf32, #tpu.memory_space<vmem_shared>>) offsets(%dma_start3A_65 : memref<125xi32, #tpu.memory_space<vmem>>) semaphore(%run_scoped3A : memref<!tpu.dma_semaphore, #tpu.memory_space<semaphore_mem>>) {add = true}
        %dma_wait3A_69 = arith.constant 0 : i32
        %dma_wait3A_70 = tpu.memref_slice %arg8[%sub3A_62, %dma_wait3A_69] : memref<40x125xi32, #tpu.memory_space<vmem>> -> memref<1x125xi32, #tpu.memory_space<vmem>>
        %dma_wait3A_71 = tpu.memref_squeeze %dma_wait3A_70 : memref<1x125xi32, #tpu.memory_space<vmem>> -> memref<125xi32, #tpu.memory_space<vmem>>
        %dma_wait3A_72 = arith.constant 0 : i32
        %dma_wait3A_73 = arith.constant 0 : i32
        %dma_wait3A_74 = tpu.memref_slice %arg11[%dma_wait3A_72, %dma_wait3A_73] : memref<10240x128xf32, #tpu.memory_space<vmem_shared>> -> memref<10240x128xf32, #tpu.memory_space<vmem_shared>>
        tpu.wait_indirect_dma semaphore(%run_scoped3A : memref<!tpu.dma_semaphore, #tpu.memory_space<semaphore_mem>>) src(%arg10 : memref<125x128xf32, #tpu.memory_space<vmem>>) dst(%dma_wait3A_74 : memref<10240x128xf32, #tpu.memory_space<vmem_shared>>)
        tpu.yield
      }) : () -> ()
    }
    %scan3A_10 = arith.constant 20 : i32
    "tpu.region"() ({
      %run_scoped3A = tpu.sem_alloc : memref<!tpu.dma_semaphore, #tpu.memory_space<semaphore_mem>>
      %dma_start3A_23 = arith.constant 40 : i32
      %dma_start3A_24 = arith.constant 0 : i32
      %dma_start3A_25 = tpu.memref_slice %arg4[%arg0, %arg1, %dma_start3A_23, %dma_start3A_24] : memref<2x16x80x125xi32, #tpu.memory_space<hbm>> -> memref<1x1x40x125xi32, #tpu.memory_space<hbm>>
      %dma_start3A_26 = tpu.memref_squeeze %dma_start3A_25 : memref<1x1x40x125xi32, #tpu.memory_space<hbm>> -> memref<40x125xi32, #tpu.memory_space<hbm>>
      %dma_start3A_27 = arith.constant 40 : i32
      %dma_start3A_28 = arith.constant 0 : i32
      %dma_start3A_29 = tpu.memref_slice %arg4[%arg0, %arg1, %dma_start3A_27, %dma_start3A_28] : memref<2x16x80x125xi32, #tpu.memory_space<hbm>> -> memref<1x1x40x125xi32, #tpu.memory_space<hbm>>
      %dma_start3A_30 = tpu.memref_squeeze %dma_start3A_29 : memref<1x1x40x125xi32, #tpu.memory_space<hbm>> -> memref<40x125xi32, #tpu.memory_space<hbm>>
      tpu.enqueue_dma source(%dma_start3A_30 : memref<40x125xi32, #tpu.memory_space<hbm>>) target(%arg8 : memref<40x125xi32, #tpu.memory_space<vmem>>) target_semaphore(%run_scoped3A : memref<!tpu.dma_semaphore, #tpu.memory_space<semaphore_mem>>)
      %dma_wait3A_31 = arith.constant 40 : i32
      %dma_wait3A_32 = arith.constant 0 : i32
      %dma_wait3A_33 = tpu.memref_slice %arg4[%arg0, %arg1, %dma_wait3A_31, %dma_wait3A_32] : memref<2x16x80x125xi32, #tpu.memory_space<hbm>> -> memref<1x1x40x125xi32, #tpu.memory_space<hbm>>
      %dma_wait3A_34 = tpu.memref_squeeze %dma_wait3A_33 : memref<1x1x40x125xi32, #tpu.memory_space<hbm>> -> memref<40x125xi32, #tpu.memory_space<hbm>>
      %dma_wait3A_35 = arith.constant 40 : i32
      %dma_wait3A_36 = arith.constant 0 : i32
      %dma_wait3A_37 = tpu.memref_slice %arg4[%arg0, %arg1, %dma_wait3A_35, %dma_wait3A_36] : memref<2x16x80x125xi32, #tpu.memory_space<hbm>> -> memref<1x1x40x125xi32, #tpu.memory_space<hbm>>
      %dma_wait3A_38 = tpu.memref_squeeze %dma_wait3A_37 : memref<1x1x40x125xi32, #tpu.memory_space<hbm>> -> memref<40x125xi32, #tpu.memory_space<hbm>>
      tpu.wait_dma2 semaphore(%run_scoped3A : memref<!tpu.dma_semaphore, #tpu.memory_space<semaphore_mem>>) src(%dma_wait3A_38 : memref<40x125xi32, #tpu.memory_space<hbm>>) dst(%arg8 : memref<40x125xi32, #tpu.memory_space<vmem>>)
      tpu.yield
    }) : () -> ()
    %scan3A_11 = arith.constant 0 : i32
    %scan3A_12 = arith.constant 20 : i32
    %scan3A_13 = arith.addi %scan3A_11, %scan3A_12 : i32
    %scan3A_14 = arith.constant 1 : i32
    scf.for %scan3A_23 = %scan3A_11 to %scan3A_13 step %scan3A_14  : i32 {
      %mul3A_24 = arith.constant 2 : i32
      %mul3A_25 = arith.muli %scan3A_23, %mul3A_24 : i32
      %add3A = arith.constant 40 : i32
      %add3A_26 = arith.addi %add3A, %mul3A_25 : i32
      %add3A_27 = arith.constant 1 : i32
      %add3A_28 = arith.addi %add3A_26, %add3A_27 : i32
      %dma_start3A_29 = arith.constant 0 : i32
      %dma_start3A_30 = tpu.memref_slice %arg7[%add3A_28, %dma_start3A_29] : memref<80x125xi32, #tpu.memory_space<vmem>> -> memref<1x125xi32, #tpu.memory_space<vmem>>
      %dma_start3A_31 = tpu.memref_squeeze %dma_start3A_30 : memref<1x125xi32, #tpu.memory_space<vmem>> -> memref<125xi32, #tpu.memory_space<vmem>>
      %dma_start3A_32 = arith.constant 0 : i32
      %dma_start3A_33 = arith.constant 0 : i32
      %dma_start3A_34 = tpu.memref_slice %arg2[%dma_start3A_32, %dma_start3A_33] : memref<10000x128xf32, #tpu.memory_space<hbm>> -> memref<10000x128xf32, #tpu.memory_space<hbm>>
      tpu.enqueue_indirect_dma source(%dma_start3A_34 : memref<10000x128xf32, #tpu.memory_space<hbm>>) target(%arg10 : memref<125x128xf32, #tpu.memory_space<vmem>>) offsets(%dma_start3A_31 : memref<125xi32, #tpu.memory_space<vmem>>) semaphore(%arg13 : memref<!tpu.dma_semaphore, #tpu.memory_space<semaphore_mem>>)
      %dma_wait3A_35 = arith.constant 0 : i32
      %dma_wait3A_36 = tpu.memref_slice %arg7[%add3A_26, %dma_wait3A_35] : memref<80x125xi32, #tpu.memory_space<vmem>> -> memref<1x125xi32, #tpu.memory_space<vmem>>
      %dma_wait3A_37 = tpu.memref_squeeze %dma_wait3A_36 : memref<1x125xi32, #tpu.memory_space<vmem>> -> memref<125xi32, #tpu.memory_space<vmem>>
      %dma_wait3A_38 = arith.constant 0 : i32
      %dma_wait3A_39 = arith.constant 0 : i32
      %dma_wait3A_40 = tpu.memref_slice %arg2[%dma_wait3A_38, %dma_wait3A_39] : memref<10000x128xf32, #tpu.memory_space<hbm>> -> memref<10000x128xf32, #tpu.memory_space<hbm>>
      tpu.wait_indirect_dma semaphore(%arg12 : memref<!tpu.dma_semaphore, #tpu.memory_space<semaphore_mem>>) src(%dma_wait3A_40 : memref<10000x128xf32, #tpu.memory_space<hbm>>) dst(%arg9 : memref<125x128xf32, #tpu.memory_space<vmem>>)
      %sub3A = arith.constant 40 : i32
      %sub3A_41 = arith.subi %add3A_26, %sub3A : i32
      "tpu.region"() ({
        %run_scoped3A = tpu.sem_alloc : memref<!tpu.dma_semaphore, #tpu.memory_space<semaphore_mem>>
        %dma_start3A_63 = arith.constant 0 : i32
        %dma_start3A_64 = tpu.memref_slice %arg8[%sub3A_41, %dma_start3A_63] : memref<40x125xi32, #tpu.memory_space<vmem>> -> memref<1x125xi32, #tpu.memory_space<vmem>>
        %dma_start3A_65 = tpu.memref_squeeze %dma_start3A_64 : memref<1x125xi32, #tpu.memory_space<vmem>> -> memref<125xi32, #tpu.memory_space<vmem>>
        %dma_start3A_66 = arith.constant 0 : i32
        %dma_start3A_67 = arith.constant 0 : i32
        %dma_start3A_68 = tpu.memref_slice %arg11[%dma_start3A_66, %dma_start3A_67] : memref<10240x128xf32, #tpu.memory_space<vmem_shared>> -> memref<10240x128xf32, #tpu.memory_space<vmem_shared>>
        tpu.enqueue_indirect_dma source(%arg9 : memref<125x128xf32, #tpu.memory_space<vmem>>) target(%dma_start3A_68 : memref<10240x128xf32, #tpu.memory_space<vmem_shared>>) offsets(%dma_start3A_65 : memref<125xi32, #tpu.memory_space<vmem>>) semaphore(%run_scoped3A : memref<!tpu.dma_semaphore, #tpu.memory_space<semaphore_mem>>) {add = true}
        %dma_wait3A_69 = arith.constant 0 : i32
        %dma_wait3A_70 = tpu.memref_slice %arg8[%sub3A_41, %dma_wait3A_69] : memref<40x125xi32, #tpu.memory_space<vmem>> -> memref<1x125xi32, #tpu.memory_space<vmem>>
        %dma_wait3A_71 = tpu.memref_squeeze %dma_wait3A_70 : memref<1x125xi32, #tpu.memory_space<vmem>> -> memref<125xi32, #tpu.memory_space<vmem>>
        %dma_wait3A_72 = arith.constant 0 : i32
        %dma_wait3A_73 = arith.constant 0 : i32
        %dma_wait3A_74 = tpu.memref_slice %arg11[%dma_wait3A_72, %dma_wait3A_73] : memref<10240x128xf32, #tpu.memory_space<vmem_shared>> -> memref<10240x128xf32, #tpu.memory_space<vmem_shared>>
        tpu.wait_indirect_dma semaphore(%run_scoped3A : memref<!tpu.dma_semaphore, #tpu.memory_space<semaphore_mem>>) src(%arg9 : memref<125x128xf32, #tpu.memory_space<vmem>>) dst(%dma_wait3A_74 : memref<10240x128xf32, #tpu.memory_space<vmem_shared>>)
        tpu.yield
      }) : () -> ()
      %add3A_42 = arith.constant 2 : i32
      %add3A_43 = arith.addi %add3A_26, %add3A_42 : i32
      %min3A = arith.constant 79 : i32
      %min3A_44 = arith.minsi %add3A_43, %min3A : i32
      %dma_start3A_45 = arith.constant 0 : i32
      %dma_start3A_46 = tpu.memref_slice %arg7[%min3A_44, %dma_start3A_45] : memref<80x125xi32, #tpu.memory_space<vmem>> -> memref<1x125xi32, #tpu.memory_space<vmem>>
      %dma_start3A_47 = tpu.memref_squeeze %dma_start3A_46 : memref<1x125xi32, #tpu.memory_space<vmem>> -> memref<125xi32, #tpu.memory_space<vmem>>
      %dma_start3A_48 = arith.constant 0 : i32
      %dma_start3A_49 = arith.constant 0 : i32
      %dma_start3A_50 = tpu.memref_slice %arg2[%dma_start3A_48, %dma_start3A_49] : memref<10000x128xf32, #tpu.memory_space<hbm>> -> memref<10000x128xf32, #tpu.memory_space<hbm>>
      tpu.enqueue_indirect_dma source(%dma_start3A_50 : memref<10000x128xf32, #tpu.memory_space<hbm>>) target(%arg9 : memref<125x128xf32, #tpu.memory_space<vmem>>) offsets(%dma_start3A_47 : memref<125xi32, #tpu.memory_space<vmem>>) semaphore(%arg12 : memref<!tpu.dma_semaphore, #tpu.memory_space<semaphore_mem>>)
      %add3A_51 = arith.constant 1 : i32
      %add3A_52 = arith.addi %add3A_26, %add3A_51 : i32
      %dma_wait3A_53 = arith.constant 0 : i32
      %dma_wait3A_54 = tpu.memref_slice %arg7[%add3A_52, %dma_wait3A_53] : memref<80x125xi32, #tpu.memory_space<vmem>> -> memref<1x125xi32, #tpu.memory_space<vmem>>
      %dma_wait3A_55 = tpu.memref_squeeze %dma_wait3A_54 : memref<1x125xi32, #tpu.memory_space<vmem>> -> memref<125xi32, #tpu.memory_space<vmem>>
      %dma_wait3A_56 = arith.constant 0 : i32
      %dma_wait3A_57 = arith.constant 0 : i32
      %dma_wait3A_58 = tpu.memref_slice %arg2[%dma_wait3A_56, %dma_wait3A_57] : memref<10000x128xf32, #tpu.memory_space<hbm>> -> memref<10000x128xf32, #tpu.memory_space<hbm>>
      tpu.wait_indirect_dma semaphore(%arg13 : memref<!tpu.dma_semaphore, #tpu.memory_space<semaphore_mem>>) src(%dma_wait3A_58 : memref<10000x128xf32, #tpu.memory_space<hbm>>) dst(%arg10 : memref<125x128xf32, #tpu.memory_space<vmem>>)
      %add3A_59 = arith.constant 1 : i32
      %add3A_60 = arith.addi %add3A_26, %add3A_59 : i32
      %sub3A_61 = arith.constant 40 : i32
      %sub3A_62 = arith.subi %add3A_60, %sub3A_61 : i32
      "tpu.region"() ({
        %run_scoped3A = tpu.sem_alloc : memref<!tpu.dma_semaphore, #tpu.memory_space<semaphore_mem>>
        %dma_start3A_63 = arith.constant 0 : i32
        %dma_start3A_64 = tpu.memref_slice %arg8[%sub3A_62, %dma_start3A_63] : memref<40x125xi32, #tpu.memory_space<vmem>> -> memref<1x125xi32, #tpu.memory_space<vmem>>
        %dma_start3A_65 = tpu.memref_squeeze %dma_start3A_64 : memref<1x125xi32, #tpu.memory_space<vmem>> -> memref<125xi32, #tpu.memory_space<vmem>>
        %dma_start3A_66 = arith.constant 0 : i32
        %dma_start3A_67 = arith.constant 0 : i32
        %dma_start3A_68 = tpu.memref_slice %arg11[%dma_start3A_66, %dma_start3A_67] : memref<10240x128xf32, #tpu.memory_space<vmem_shared>> -> memref<10240x128xf32, #tpu.memory_space<vmem_shared>>
        tpu.enqueue_indirect_dma source(%arg10 : memref<125x128xf32, #tpu.memory_space<vmem>>) target(%dma_start3A_68 : memref<10240x128xf32, #tpu.memory_space<vmem_shared>>) offsets(%dma_start3A_65 : memref<125xi32, #tpu.memory_space<vmem>>) semaphore(%run_scoped3A : memref<!tpu.dma_semaphore, #tpu.memory_space<semaphore_mem>>) {add = true}
        %dma_wait3A_69 = arith.constant 0 : i32
        %dma_wait3A_70 = tpu.memref_slice %arg8[%sub3A_62, %dma_wait3A_69] : memref<40x125xi32, #tpu.memory_space<vmem>> -> memref<1x125xi32, #tpu.memory_space<vmem>>
        %dma_wait3A_71 = tpu.memref_squeeze %dma_wait3A_70 : memref<1x125xi32, #tpu.memory_space<vmem>> -> memref<125xi32, #tpu.memory_space<vmem>>
        %dma_wait3A_72 = arith.constant 0 : i32
        %dma_wait3A_73 = arith.constant 0 : i32
        %dma_wait3A_74 = tpu.memref_slice %arg11[%dma_wait3A_72, %dma_wait3A_73] : memref<10240x128xf32, #tpu.memory_space<vmem_shared>> -> memref<10240x128xf32, #tpu.memory_space<vmem_shared>>
        tpu.wait_indirect_dma semaphore(%run_scoped3A : memref<!tpu.dma_semaphore, #tpu.memory_space<semaphore_mem>>) src(%arg10 : memref<125x128xf32, #tpu.memory_space<vmem>>) dst(%dma_wait3A_74 : memref<10240x128xf32, #tpu.memory_space<vmem_shared>>)
        tpu.yield
      }) : () -> ()
    }
    %scan3A_15 = arith.constant 20 : i32
    %dma_wait3A = arith.constant 79 : i32
    %dma_wait3A_16 = arith.constant 0 : i32
    %dma_wait3A_17 = tpu.memref_slice %arg7[%dma_wait3A, %dma_wait3A_16] : memref<80x125xi32, #tpu.memory_space<vmem>> -> memref<1x125xi32, #tpu.memory_space<vmem>>
    %dma_wait3A_18 = tpu.memref_squeeze %dma_wait3A_17 : memref<1x125xi32, #tpu.memory_space<vmem>> -> memref<125xi32, #tpu.memory_space<vmem>>
    %dma_wait3A_19 = arith.constant 0 : i32
    %dma_wait3A_20 = arith.constant 0 : i32
    %dma_wait3A_21 = tpu.memref_slice %arg2[%dma_wait3A_19, %dma_wait3A_20] : memref<10000x128xf32, #tpu.memory_space<hbm>> -> memref<10000x128xf32, #tpu.memory_space<hbm>>
    tpu.wait_indirect_dma semaphore(%arg12 : memref<!tpu.dma_semaphore, #tpu.memory_space<semaphore_mem>>) src(%dma_wait3A_21 : memref<10000x128xf32, #tpu.memory_space<hbm>>) dst(%arg9 : memref<125x128xf32, #tpu.memory_space<vmem>>)
    %barrier3A_22 = arith.constant 0 : index
    tpu.barrier barrier_id(%barrier3A_22)
    "tpu.region"() ({
      %run_scoped3A = tpu.sem_alloc : memref<!tpu.dma_semaphore, #tpu.memory_space<semaphore_mem>>
      %dma_start3A_23 = arith.constant 0 : i32
      %dma_start3A_24 = tpu.memref_slice %arg6[%arg0, %mul3A_0, %dma_start3A_23] : memref<2x10240x128xf32, #tpu.memory_space<hbm>> -> memref<1x640x128xf32, #tpu.memory_space<hbm>>
      %dma_start3A_25 = tpu.memref_squeeze %dma_start3A_24 : memref<1x640x128xf32, #tpu.memory_space<hbm>> -> memref<640x128xf32, #tpu.memory_space<hbm>>
      %dma_start3A_26 = arith.constant 0 : i32
      %dma_start3A_27 = tpu.memref_slice %arg11[%mul3A_0, %dma_start3A_26] : memref<10240x128xf32, #tpu.memory_space<vmem_shared>> -> memref<640x128xf32, #tpu.memory_space<vmem_shared>>
      tpu.enqueue_dma source(%dma_start3A_27 : memref<640x128xf32, #tpu.memory_space<vmem_shared>>) target(%dma_start3A_25 : memref<640x128xf32, #tpu.memory_space<hbm>>) target_semaphore(%run_scoped3A : memref<!tpu.dma_semaphore, #tpu.memory_space<semaphore_mem>>)
      %dma_wait3A_28 = arith.constant 0 : i32
      %dma_wait3A_29 = tpu.memref_slice %arg6[%arg0, %mul3A_0, %dma_wait3A_28] : memref<2x10240x128xf32, #tpu.memory_space<hbm>> -> memref<1x640x128xf32, #tpu.memory_space<hbm>>
      %dma_wait3A_30 = tpu.memref_squeeze %dma_wait3A_29 : memref<1x640x128xf32, #tpu.memory_space<hbm>> -> memref<640x128xf32, #tpu.memory_space<hbm>>
      %dma_wait3A_31 = arith.constant 0 : i32
      %dma_wait3A_32 = tpu.memref_slice %arg11[%mul3A_0, %dma_wait3A_31] : memref<10240x128xf32, #tpu.memory_space<vmem_shared>> -> memref<640x128xf32, #tpu.memory_space<vmem_shared>>
      tpu.wait_dma2 semaphore(%run_scoped3A : memref<!tpu.dma_semaphore, #tpu.memory_space<semaphore_mem>>) src(%dma_wait3A_32 : memref<640x128xf32, #tpu.memory_space<vmem_shared>>) dst(%dma_wait3A_30 : memref<640x128xf32, #tpu.memory_space<hbm>>)
      tpu.yield
    }) : () -> ()
    return
  }
}

module attributes {stable_mosaic.version = 14 : i64} {
  func.func @_tc1a_body(%arg0: memref<10000x128xf32, #tpu.memory_space<vmem>>, %arg1: memref<128x128xf32, #tpu.memory_space<vmem>>, %arg2: memref<128xf32, #tpu.memory_space<vmem>>, %arg3: memref<10000x128xf32, #tpu.memory_space<vmem>>) attributes {dimension_semantics = [], scalar_prefetch = 0 : i64, scratch_operands = 0 : i64, tpu.core_type = #tpu.core_type<tc>} {
    %get3A = arith.constant 0 : index
    %get3A_0 = arith.constant 0 : index
    %get3A_1 = vector.load %arg0[%get3A, %get3A_0] : memref<10000x128xf32, #tpu.memory_space<vmem>>, vector<10000x128xf32>
    %get3A_2 = arith.constant 0 : index
    %get3A_3 = arith.constant 0 : index
    %get3A_4 = vector.load %arg1[%get3A_2, %get3A_3] : memref<128x128xf32, #tpu.memory_space<vmem>>, vector<128x128xf32>
    %dot_general3A = arith.constant dense<0.000000e+00> : vector<10000x128xf32>
    %dot_general3A_5 = tpu.matmul %get3A_1, %get3A_4, %dot_general3A {dimension_numbers = #tpu.dot_dimension_numbers<[1], [0], [0], [1], [0, 0, 1, 1], [], []>, transpose_lhs_hint = false} : vector<10000x128xf32>, vector<128x128xf32>, vector<10000x128xf32> -> vector<10000x128xf32>
    %get3A_6 = arith.constant 0 : index
    %get3A_7 = vector.load %arg2[%get3A_6] : memref<128xf32, #tpu.memory_space<vmem>>, vector<128xf32>
    %broadcast_in_dim3A = vector.shape_cast %get3A_7 : vector<128xf32> to vector<1x128xf32>
    %add3A = vector.broadcast %broadcast_in_dim3A : vector<1x128xf32> to vector<10000x128xf32>
    %add3A_8 = arith.addf %dot_general3A_5, %add3A : vector<10000x128xf32>
    %swap3A = arith.constant 0 : index
    %swap3A_9 = arith.constant 0 : index
    %swap3A_10 = vector.load %arg3[%swap3A, %swap3A_9] : memref<10000x128xf32, #tpu.memory_space<vmem>>, vector<10000x128xf32>
    tpu.vector_store %arg3[%swap3A, %swap3A_9], %add3A_8 {strides = array<i32>} : memref<10000x128xf32, #tpu.memory_space<vmem>>, vector<10000x128xf32>,
    return
  }
}

module attributes {stable_mosaic.version = 14 : i64} {
  func.func @_tc1b_body(%arg0: memref<2x10240x128xf32, #tpu.memory_space<vmem>>, %arg1: memref<10000x128xf32, #tpu.memory_space<vmem>>, %arg2: memref<10000x128xf32, #tpu.memory_space<vmem>>, %arg3: memref<10000x128xf32, #tpu.memory_space<vmem>>) attributes {dimension_semantics = [], scalar_prefetch = 0 : i64, scratch_operands = 0 : i64, tpu.core_type = #tpu.core_type<tc>} {
    %get3A = arith.constant 0 : index
    %get3A_0 = arith.constant 0 : index
    %get3A_1 = arith.constant 0 : index
    %get3A_2 = vector.load %arg0[%get3A, %get3A_0, %get3A_1] : memref<2x10240x128xf32, #tpu.memory_space<vmem>>, vector<1x10240x128xf32>
    %get3A_3 = vector.shape_cast %get3A_2 : vector<1x10240x128xf32> to vector<10240x128xf32>
    %slice3A = vector.extract_strided_slice %get3A_3 {offsets = [0, 0], sizes = [10000, 1], strides = [1, 1]} : vector<10240x128xf32> to vector<10000x1xf32>
    %get3A_4 = arith.constant 1 : index
    %get3A_5 = arith.constant 0 : index
    %get3A_6 = arith.constant 0 : index
    %get3A_7 = vector.load %arg0[%get3A_4, %get3A_5, %get3A_6] : memref<2x10240x128xf32, #tpu.memory_space<vmem>>, vector<1x10240x128xf32>
    %get3A_8 = vector.shape_cast %get3A_7 : vector<1x10240x128xf32> to vector<10240x128xf32>
    %slice3A_9 = vector.extract_strided_slice %get3A_8 {offsets = [0, 0], sizes = [10000, 1], strides = [1, 1]} : vector<10240x128xf32> to vector<10000x1xf32>
    %add3A = arith.addf %slice3A, %slice3A_9 : vector<10000x1xf32>
    %add3A_10 = arith.constant 1.000000e+00 : f32
    %add3A_11 = vector.broadcast %add3A_10 : f32 to vector<10000x1xf32>
    %add3A_12 = arith.addf %add3A, %add3A_11 : vector<10000x1xf32>
    %rsqrt3A = math.rsqrt %add3A_12 : vector<10000x1xf32>
    %broadcast_in_dim3A = vector.shape_cast %rsqrt3A : vector<10000x1xf32> to vector<10000x1xf32>
    %broadcast_in_dim3A_13 = vector.broadcast %broadcast_in_dim3A : vector<10000x1xf32> to vector<10000x128xf32>
    %get3A_14 = arith.constant 0 : index
    %get3A_15 = arith.constant 0 : index
    %get3A_16 = vector.load %arg1[%get3A_14, %get3A_15] : memref<10000x128xf32, #tpu.memory_space<vmem>>, vector<10000x128xf32>
    %mul3A = arith.mulf %get3A_16, %broadcast_in_dim3A_13 : vector<10000x128xf32>
    %swap3A = arith.constant 0 : index
    %swap3A_17 = arith.constant 0 : index
    %swap3A_18 = vector.load %arg2[%swap3A, %swap3A_17] : memref<10000x128xf32, #tpu.memory_space<vmem>>, vector<10000x128xf32>
    tpu.vector_store %arg2[%swap3A, %swap3A_17], %mul3A {strides = array<i32>} : memref<10000x128xf32, #tpu.memory_space<vmem>>, vector<10000x128xf32>,
    %swap3A_19 = arith.constant 0 : index
    %swap3A_20 = arith.constant 0 : index
    %swap3A_21 = vector.load %arg3[%swap3A_19, %swap3A_20] : memref<10000x128xf32, #tpu.memory_space<vmem>>, vector<10000x128xf32>
    tpu.vector_store %arg3[%swap3A_19, %swap3A_20], %broadcast_in_dim3A_13 {strides = array<i32>} : memref<10000x128xf32, #tpu.memory_space<vmem>>, vector<10000x128xf32>,
    return
  }
}

module attributes {stable_mosaic.version = 14 : i64} {
  func.func @_tc2_body(%arg0: memref<2x10240x128xf32, #tpu.memory_space<vmem>>, %arg1: memref<10000x128xf32, #tpu.memory_space<vmem>>, %arg2: memref<10000x128xf32, #tpu.memory_space<vmem>>, %arg3: memref<128x128xf32, #tpu.memory_space<vmem>>, %arg4: memref<128xf32, #tpu.memory_space<vmem>>, %arg5: memref<128xf32, #tpu.memory_space<vmem>>, %arg6: memref<128xf32, #tpu.memory_space<vmem>>, %arg7: memref<10000x128xf32, #tpu.memory_space<vmem>>) attributes {dimension_semantics = [], scalar_prefetch = 0 : i64, scratch_operands = 0 : i64, tpu.core_type = #tpu.core_type<tc>} {
    %get3A = arith.constant 0 : index
    %get3A_0 = arith.constant 0 : index
    %get3A_1 = vector.load %arg2[%get3A, %get3A_0] : memref<10000x128xf32, #tpu.memory_space<vmem>>, vector<10000x128xf32>
    %get3A_2 = arith.constant 0 : index
    %get3A_3 = arith.constant 0 : index
    %get3A_4 = arith.constant 0 : index
    %get3A_5 = vector.load %arg0[%get3A_2, %get3A_3, %get3A_4] : memref<2x10240x128xf32, #tpu.memory_space<vmem>>, vector<1x10240x128xf32>
    %get3A_6 = vector.shape_cast %get3A_5 : vector<1x10240x128xf32> to vector<10240x128xf32>
    %slice3A = vector.extract_strided_slice %get3A_6 {offsets = [0, 0], sizes = [10000, 128], strides = [1, 1]} : vector<10240x128xf32> to vector<10000x128xf32>
    %get3A_7 = arith.constant 1 : index
    %get3A_8 = arith.constant 0 : index
    %get3A_9 = arith.constant 0 : index
    %get3A_10 = vector.load %arg0[%get3A_7, %get3A_8, %get3A_9] : memref<2x10240x128xf32, #tpu.memory_space<vmem>>, vector<1x10240x128xf32>
    %get3A_11 = vector.shape_cast %get3A_10 : vector<1x10240x128xf32> to vector<10240x128xf32>
    %slice3A_12 = vector.extract_strided_slice %get3A_11 {offsets = [0, 0], sizes = [10000, 128], strides = [1, 1]} : vector<10240x128xf32> to vector<10000x128xf32>
    %add3A = arith.addf %slice3A, %slice3A_12 : vector<10000x128xf32>
    %get3A_13 = arith.constant 0 : index
    %get3A_14 = arith.constant 0 : index
    %get3A_15 = vector.load %arg1[%get3A_13, %get3A_14] : memref<10000x128xf32, #tpu.memory_space<vmem>>, vector<10000x128xf32>
    %add3A_16 = arith.addf %add3A, %get3A_15 : vector<10000x128xf32>
    %mul3A = arith.mulf %get3A_1, %add3A_16 : vector<10000x128xf32>
    %reduce_sum3A = arith.constant dense<0.000000e+00> : vector<128xf32>
    %reduce_sum3A_17 = vector.multi_reduction <add>, %mul3A, %reduce_sum3A [0] : vector<10000x128xf32> to vector<128xf32>
    %div3A = arith.constant 1.000000e+04 : f32
    %div3A_18 = vector.broadcast %div3A : f32 to vector<128xf32>
    %div3A_19 = arith.divf %reduce_sum3A_17, %div3A_18 : vector<128xf32>
    %broadcast_in_dim3A = vector.shape_cast %div3A_19 : vector<128xf32> to vector<1x128xf32>
    %sub3A = vector.broadcast %broadcast_in_dim3A : vector<1x128xf32> to vector<10000x128xf32>
    %sub3A_20 = arith.subf %mul3A, %sub3A : vector<10000x128xf32>
    %integer_pow3A = arith.mulf %sub3A_20, %sub3A_20 : vector<10000x128xf32>
    %reduce_sum3A_21 = arith.constant dense<0.000000e+00> : vector<128xf32>
    %reduce_sum3A_22 = vector.multi_reduction <add>, %integer_pow3A, %reduce_sum3A_21 [0] : vector<10000x128xf32> to vector<128xf32>
    %div3A_23 = arith.constant 1.000000e+04 : f32
    %div3A_24 = vector.broadcast %div3A_23 : f32 to vector<128xf32>
    %div3A_25 = arith.divf %reduce_sum3A_22, %div3A_24 : vector<128xf32>
    %get3A_26 = arith.constant 0 : index
    %get3A_27 = vector.load %arg5[%get3A_26] : memref<128xf32, #tpu.memory_space<vmem>>, vector<128xf32>
    %broadcast_in_dim3A_28 = vector.shape_cast %div3A_19 : vector<128xf32> to vector<1x128xf32>
    %sub3A_29 = vector.broadcast %broadcast_in_dim3A_28 : vector<1x128xf32> to vector<10000x128xf32>
    %sub3A_30 = arith.subf %mul3A, %sub3A_29 : vector<10000x128xf32>
    %broadcast_in_dim3A_31 = vector.shape_cast %get3A_27 : vector<128xf32> to vector<1x128xf32>
    %mul3A_32 = vector.broadcast %broadcast_in_dim3A_31 : vector<1x128xf32> to vector<10000x128xf32>
    %mul3A_33 = arith.mulf %mul3A_32, %sub3A_30 : vector<10000x128xf32>
    %add3A_34 = arith.constant 9.99999974E-6 : f32
    %add3A_35 = vector.broadcast %add3A_34 : f32 to vector<128xf32>
    %add3A_36 = arith.addf %div3A_25, %add3A_35 : vector<128xf32>
    %rsqrt3A = math.rsqrt %add3A_36 : vector<128xf32>
    %broadcast_in_dim3A_37 = vector.shape_cast %rsqrt3A : vector<128xf32> to vector<1x128xf32>
    %mul3A_38 = vector.broadcast %broadcast_in_dim3A_37 : vector<1x128xf32> to vector<10000x128xf32>
    %mul3A_39 = arith.mulf %mul3A_33, %mul3A_38 : vector<10000x128xf32>
    %get3A_40 = arith.constant 0 : index
    %get3A_41 = vector.load %arg6[%get3A_40] : memref<128xf32, #tpu.memory_space<vmem>>, vector<128xf32>
    %broadcast_in_dim3A_42 = vector.shape_cast %get3A_41 : vector<128xf32> to vector<1x128xf32>
    %add3A_43 = vector.broadcast %broadcast_in_dim3A_42 : vector<1x128xf32> to vector<10000x128xf32>
    %add3A_44 = arith.addf %mul3A_39, %add3A_43 : vector<10000x128xf32>
    %max3A = arith.constant 0.000000e+00 : f32
    %max3A_45 = vector.broadcast %max3A : f32 to vector<10000x128xf32>
    %max3A_46 = arith.maximumf %add3A_44, %max3A_45 : vector<10000x128xf32>
    %get3A_47 = arith.constant 0 : index
    %get3A_48 = arith.constant 0 : index
    %get3A_49 = vector.load %arg3[%get3A_47, %get3A_48] : memref<128x128xf32, #tpu.memory_space<vmem>>, vector<128x128xf32>
    %dot_general3A = arith.constant dense<0.000000e+00> : vector<10000x128xf32>
    %dot_general3A_50 = tpu.matmul %max3A_46, %get3A_49, %dot_general3A {dimension_numbers = #tpu.dot_dimension_numbers<[1], [0], [0], [1], [0, 0, 1, 1], [], []>, transpose_lhs_hint = false} : vector<10000x128xf32>, vector<128x128xf32>, vector<10000x128xf32> -> vector<10000x128xf32>
    %get3A_51 = arith.constant 0 : index
    %get3A_52 = vector.load %arg4[%get3A_51] : memref<128xf32, #tpu.memory_space<vmem>>, vector<128xf32>
    %broadcast_in_dim3A_53 = vector.shape_cast %get3A_52 : vector<128xf32> to vector<1x128xf32>
    %add3A_54 = vector.broadcast %broadcast_in_dim3A_53 : vector<1x128xf32> to vector<10000x128xf32>
    %add3A_55 = arith.addf %dot_general3A_50, %add3A_54 : vector<10000x128xf32>
    %get3A_56 = arith.constant 0 : index
    %get3A_57 = arith.constant 0 : index
    %get3A_58 = vector.load %arg2[%get3A_56, %get3A_57] : memref<10000x128xf32, #tpu.memory_space<vmem>>, vector<10000x128xf32>
    %mul3A_59 = arith.mulf %add3A_55, %get3A_58 : vector<10000x128xf32>
    %swap3A = arith.constant 0 : index
    %swap3A_60 = arith.constant 0 : index
    %swap3A_61 = vector.load %arg7[%swap3A, %swap3A_60] : memref<10000x128xf32, #tpu.memory_space<vmem>>, vector<10000x128xf32>
    tpu.vector_store %arg7[%swap3A, %swap3A_60], %mul3A_59 {strides = array<i32>} : memref<10000x128xf32, #tpu.memory_space<vmem>>, vector<10000x128xf32>,
    return
  }
}

module attributes {stable_mosaic.version = 14 : i64} {
  func.func @_tc3_body(%arg0: memref<2x10240x128xf32, #tpu.memory_space<vmem>>, %arg1: memref<10000x128xf32, #tpu.memory_space<vmem>>, %arg2: memref<10000x128xf32, #tpu.memory_space<vmem>>, %arg3: memref<10000x128xf32, #tpu.memory_space<vmem>>, %arg4: memref<128xf32, #tpu.memory_space<vmem>>, %arg5: memref<128xf32, #tpu.memory_space<vmem>>, %arg6: memref<10000x128xf32, #tpu.memory_space<vmem>>) attributes {dimension_semantics = [], scalar_prefetch = 0 : i64, scratch_operands = 0 : i64, tpu.core_type = #tpu.core_type<tc>} {
    %get3A = arith.constant 0 : index
    %get3A_0 = arith.constant 0 : index
    %get3A_1 = vector.load %arg2[%get3A, %get3A_0] : memref<10000x128xf32, #tpu.memory_space<vmem>>, vector<10000x128xf32>
    %get3A_2 = arith.constant 0 : index
    %get3A_3 = arith.constant 0 : index
    %get3A_4 = arith.constant 0 : index
    %get3A_5 = vector.load %arg0[%get3A_2, %get3A_3, %get3A_4] : memref<2x10240x128xf32, #tpu.memory_space<vmem>>, vector<1x10240x128xf32>
    %get3A_6 = vector.shape_cast %get3A_5 : vector<1x10240x128xf32> to vector<10240x128xf32>
    %slice3A = vector.extract_strided_slice %get3A_6 {offsets = [0, 0], sizes = [10000, 128], strides = [1, 1]} : vector<10240x128xf32> to vector<10000x128xf32>
    %get3A_7 = arith.constant 1 : index
    %get3A_8 = arith.constant 0 : index
    %get3A_9 = arith.constant 0 : index
    %get3A_10 = vector.load %arg0[%get3A_7, %get3A_8, %get3A_9] : memref<2x10240x128xf32, #tpu.memory_space<vmem>>, vector<1x10240x128xf32>
    %get3A_11 = vector.shape_cast %get3A_10 : vector<1x10240x128xf32> to vector<10240x128xf32>
    %slice3A_12 = vector.extract_strided_slice %get3A_11 {offsets = [0, 0], sizes = [10000, 128], strides = [1, 1]} : vector<10240x128xf32> to vector<10000x128xf32>
    %add3A = arith.addf %slice3A, %slice3A_12 : vector<10000x128xf32>
    %get3A_13 = arith.constant 0 : index
    %get3A_14 = arith.constant 0 : index
    %get3A_15 = vector.load %arg1[%get3A_13, %get3A_14] : memref<10000x128xf32, #tpu.memory_space<vmem>>, vector<10000x128xf32>
    %add3A_16 = arith.addf %add3A, %get3A_15 : vector<10000x128xf32>
    %mul3A = arith.mulf %get3A_1, %add3A_16 : vector<10000x128xf32>
    %reduce_sum3A = arith.constant dense<0.000000e+00> : vector<128xf32>
    %reduce_sum3A_17 = vector.multi_reduction <add>, %mul3A, %reduce_sum3A [0] : vector<10000x128xf32> to vector<128xf32>
    %div3A = arith.constant 1.000000e+04 : f32
    %div3A_18 = vector.broadcast %div3A : f32 to vector<128xf32>
    %div3A_19 = arith.divf %reduce_sum3A_17, %div3A_18 : vector<128xf32>
    %broadcast_in_dim3A = vector.shape_cast %div3A_19 : vector<128xf32> to vector<1x128xf32>
    %sub3A = vector.broadcast %broadcast_in_dim3A : vector<1x128xf32> to vector<10000x128xf32>
    %sub3A_20 = arith.subf %mul3A, %sub3A : vector<10000x128xf32>
    %integer_pow3A = arith.mulf %sub3A_20, %sub3A_20 : vector<10000x128xf32>
    %reduce_sum3A_21 = arith.constant dense<0.000000e+00> : vector<128xf32>
    %reduce_sum3A_22 = vector.multi_reduction <add>, %integer_pow3A, %reduce_sum3A_21 [0] : vector<10000x128xf32> to vector<128xf32>
    %div3A_23 = arith.constant 1.000000e+04 : f32
    %div3A_24 = vector.broadcast %div3A_23 : f32 to vector<128xf32>
    %div3A_25 = arith.divf %reduce_sum3A_22, %div3A_24 : vector<128xf32>
    %get3A_26 = arith.constant 0 : index
    %get3A_27 = vector.load %arg4[%get3A_26] : memref<128xf32, #tpu.memory_space<vmem>>, vector<128xf32>
    %broadcast_in_dim3A_28 = vector.shape_cast %div3A_19 : vector<128xf32> to vector<1x128xf32>
    %sub3A_29 = vector.broadcast %broadcast_in_dim3A_28 : vector<1x128xf32> to vector<10000x128xf32>
    %sub3A_30 = arith.subf %mul3A, %sub3A_29 : vector<10000x128xf32>
    %broadcast_in_dim3A_31 = vector.shape_cast %get3A_27 : vector<128xf32> to vector<1x128xf32>
    %mul3A_32 = vector.broadcast %broadcast_in_dim3A_31 : vector<1x128xf32> to vector<10000x128xf32>
    %mul3A_33 = arith.mulf %mul3A_32, %sub3A_30 : vector<10000x128xf32>
    %add3A_34 = arith.constant 9.99999974E-6 : f32
    %add3A_35 = vector.broadcast %add3A_34 : f32 to vector<128xf32>
    %add3A_36 = arith.addf %div3A_25, %add3A_35 : vector<128xf32>
    %rsqrt3A = math.rsqrt %add3A_36 : vector<128xf32>
    %broadcast_in_dim3A_37 = vector.shape_cast %rsqrt3A : vector<128xf32> to vector<1x128xf32>
    %mul3A_38 = vector.broadcast %broadcast_in_dim3A_37 : vector<1x128xf32> to vector<10000x128xf32>
    %mul3A_39 = arith.mulf %mul3A_33, %mul3A_38 : vector<10000x128xf32>
    %get3A_40 = arith.constant 0 : index
    %get3A_41 = vector.load %arg5[%get3A_40] : memref<128xf32, #tpu.memory_space<vmem>>, vector<128xf32>
    %broadcast_in_dim3A_42 = vector.shape_cast %get3A_41 : vector<128xf32> to vector<1x128xf32>
    %add3A_43 = vector.broadcast %broadcast_in_dim3A_42 : vector<1x128xf32> to vector<10000x128xf32>
    %add3A_44 = arith.addf %mul3A_39, %add3A_43 : vector<10000x128xf32>
    %get3A_45 = arith.constant 0 : index
    %get3A_46 = arith.constant 0 : index
    %get3A_47 = vector.load %arg3[%get3A_45, %get3A_46] : memref<10000x128xf32, #tpu.memory_space<vmem>>, vector<10000x128xf32>
    %add3A_48 = arith.addf %add3A_44, %get3A_47 : vector<10000x128xf32>
    %max3A = arith.constant 0.000000e+00 : f32
    %max3A_49 = vector.broadcast %max3A : f32 to vector<10000x128xf32>
    %max3A_50 = arith.maximumf %add3A_48, %max3A_49 : vector<10000x128xf32>
    %swap3A = arith.constant 0 : index
    %swap3A_51 = arith.constant 0 : index
    %swap3A_52 = vector.load %arg6[%swap3A, %swap3A_51] : memref<10000x128xf32, #tpu.memory_space<vmem>>, vector<10000x128xf32>
    tpu.vector_store %arg6[%swap3A, %swap3A_51], %max3A_50 {strides = array<i32>} : memref<10000x128xf32, #tpu.memory_space<vmem>>, vector<10000x128xf32>,
    return
  }
}

</mosaic_0001>

<sc_bundles>
// kernel: kernel.12.cloned.1.call-start
scs
__scs_entry_jumppad:
0x0: {  	(pc) =	sbr.rel $0x88, $3  }
0x1: {  	(tag) =	ssettag $0x0;
	lr =	simm.s32 $0x1  }
0x2: {  	[smem:$0x3F97] =	sst lr;
	_ =	strace $0xD0000000  }
0x3: {  	_ = 	snop  }
0x4: {  	_ = 	snop  }
0x5: {  	_ = 	snop  }
0x6: {  	_ = 	snop  }
0x7: {  	_ = 	snop  }
__scs_overlays_trampoline_lowered:
0x8: {  	[smem:$0x3FA6] =	sst s0  }
0x9: {  	[smem:$0x3FA7] =	sst s1  }
0xa: {  	[smem:$0x3FA8] =	sst s2  }
0xb: {  	[smem:$0x3FA9] =	sst s3  }
0xc: {  	[smem:$0x3FAA] =	sst s4  }
0xd: {  	[smem:$0x3FAB] =	sst s5  }
0xe: {  	[smem:$0x3FAC] =	sst s6  }
0xf: {  	[smem:$0x3FAD] =	sst s7  }
0x10: {  	[smem:$0x3FAE] =	sst s8  }
0x11: {  	[smem:$0x3FAF] =	sst s9;
	s0 =	simm.s32 @!p0 $0x0  }
0x12: {  	s1 =	sld [smem:$0x3F95];
	s0 =	simm.s32 @p0 $0x1  }
0x13: {  	[smem:$0x3FB0] =	sst s0;
	s0 =	simm.s32 @!p1 $0x0  }
0x14: {  	s2 =	sld [smem:$0x3F94];
	s0 =	simm.s32 @p1 $0x1  }
0x15: {  	[smem:$0x3FB1] =	sst s0;
	s0 =	simm.s32 @!p2 $0x0  }
0x16: {  	s3 =	sld [smem:$0x3FDB];
	s0 =	simm.s32 @p2 $0x1  }
0x17: {  	s4 =	simm.s32 $0x1BF5;
	[smem:$0x3FB3] =	sst s0  }
0x18: {  	s0 =	sld [smem:$0x3F96];
	_ =	swait.ge [sflag:s4], $0x0  }
0x19: {  	s7 =	sld [smem:$0x3F97]  }
0x1a: {  	s8 =	sadd.s32 $0xFFFFE003, lr  }
0x1b: {  	s9 =	sadd.s32 $0xFFFFFEF7, lr;
	s5 =	simm.s32 $0xFFFFFFFF;
	p2 =	slt.u32 s8, $0xFFFFF086  }
0x1c: {  	p1 =	slt.u32 s9, $0xF7A;
	s5 =	simm.s32 @!p2 $0x0  }
0x1d: {  	s5 =	simm.s32 @p1 $0x1;
	p0 =	seq.s32 s7, s2  }
0x1e: {  	s7 =	smul.u32 @!p0 $0xF7A, s2;
	p2 =	seq.s32 @!p0 s5, $0x0  }
0x1f: {  	s9 =	smul.u32 $0xF7A, s1;
	s8 =	simm.s32 @!p0 $0x1BF5;
	p2 =	por !p2, p0  }
0x20: {  	[sflag:s8] =	ssyncset.s32 @!p0 $0xFFFFF086;
	s6 =	sadd.s32 @!p0 s3, s7;
	s7 =	simm.s32 @!p0 $0x108  }
0x21: {  	s3 =	sadd.s32 s3, s9;
	s6 =	sadd.s32 @!p0 $0x88, s6;
	s7 =	simm.s32 @p2 $0x1082  }
0x22: {  	[simem:s7], [sflag:s8] =	dma.local @!p0 [hbm:s6], $0xF7A  }
0x23: {  	s9 =	sor.u32 $0xD0000000, s2;
	s6 =	simm.s32 $0x108;
	_ =	swait.ge @!p0 [sflag:s8], $0x0  }
0x24: {  	s3 =	sadd.s32 $0x88, s3;
	s6 =	simm.s32 @!p1 $0x1082;
	[sflag:s4] =	ssyncset.s32 $0xFFFFF086  }
0x25: {  	[simem:s6], [sflag:s4] =	dma.local [hbm:s3], $0xF7A  }
0x26: {  	[smem:$0x3F97] =	sst s1;
	(tag) =	ssettag s2;
	_ =	strace s9  }
0x27: {  	s1 =	sld [smem:$0x3FA7]  }
0x28: {  	s2 =	sld [smem:$0x3FA8]  }
0x29: {  	s4 =	sld [smem:$0x3FAA]  }
0x2a: {  	p0 =	seq.s32 s5, $0x0;
	s5 =	sld [smem:$0x3FAB]  }
0x2b: {  	s6 =	sld [smem:$0x3FAC]  }
0x2c: {  	s7 =	sld [smem:$0x3FAD]  }
0x2d: {  	s3 =	simm.s32 $0x108;
	s8 =	sld [smem:$0x3FAE]  }
0x2e: {  	s3 =	simm.s32 @!p0 $0x1082;
	s9 =	sld [smem:$0x3FAF]  }
0x2f: {  	lr =	sadd.s32 s0, s3;
	s0 =	sld [smem:$0x3FA6]  }
0x30: {  	s3 =	sld [smem:$0x3FA9]  }
0x31: {  	[smem:$0x3FB2] =	sst s10  }
0x32: {  	s10 =	sld [smem:$0x3FB0];
	_ =	sdelay $0x3  }
0x33: {  	p0 =	seq.s32 s10, $0x1;
	s10 =	sld [smem:$0x3FB2];
	_ =	sdelay $0x3  }
0x34: {  	[smem:$0x3FB2] =	sst s10  }
0x35: {  	s10 =	sld [smem:$0x3FB1];
	_ =	sdelay $0x3  }
0x36: {  	p1 =	seq.s32 s10, $0x1;
	s10 =	sld [smem:$0x3FB2];
	_ =	sdelay $0x3  }
0x37: {  	[smem:$0x3FB2] =	sst s10  }
0x38: {  	s10 =	sld [smem:$0x3FB3]  }
0x39: {  	_ = 	snop;
	(pc) =	sbr.ind lr, $3  }
0x3a: {  	_ = 	snop  }
0x3b: {  	_ = 	snop  }
0x3c: {  	p2 =	seq.s32 s10, $0x1;
	s10 =	sld [smem:$0x3FB2]  }
0x3d: {  	_ =	shalt  }
0x3e: {  	_ =	shalt  }
0x3f: {  	_ =	shalt  }
0x40: {  	_ =	shalt  }
0x41: {  	_ =	shalt  }
0x42: {  	_ =	shalt  }
0x43: {  	_ =	shalt  }
0x44: {  	_ =	shalt  }
0x45: {  	_ =	shalt  }
0x46: {  	_ =	shalt  }
0x47: {  	_ =	shalt  }
0x48: {  	_ =	shalt  }
0x49: {  	_ =	shalt  }
0x4a: {  	_ =	shalt  }
0x4b: {  	_ =	shalt  }
0x4c: {  	_ =	shalt  }
0x4d: {  	_ =	shalt  }
0x4e: {  	_ =	shalt  }
0x4f: {  	_ =	shalt  }
0x50: {  	_ =	shalt  }
0x51: {  	_ =	shalt  }
0x52: {  	_ =	shalt  }
0x53: {  	_ =	shalt  }
0x54: {  	_ =	shalt  }
0x55: {  	_ =	shalt  }
0x56: {  	_ =	shalt  }
0x57: {  	_ =	shalt  }
0x58: {  	_ =	shalt  }
0x59: {  	_ =	shalt  }
0x5a: {  	_ =	shalt  }
0x5b: {  	_ =	shalt  }
0x5c: {  	_ =	shalt  }
0x5d: {  	_ =	shalt  }
0x5e: {  	_ =	shalt  }
0x5f: {  	_ =	shalt  }
0x60: {  	_ =	shalt  }
0x61: {  	_ =	shalt  }
0x62: {  	_ =	shalt  }
0x63: {  	_ =	shalt  }
0x64: {  	_ =	shalt  }
0x65: {  	_ =	shalt  }
0x66: {  	_ =	shalt  }
0x67: {  	_ =	shalt  }
0x68: {  	_ =	shalt  }
0x69: {  	_ =	shalt  }
0x6a: {  	_ =	shalt  }
0x6b: {  	_ =	shalt  }
0x6c: {  	_ =	shalt  }
0x6d: {  	_ =	shalt  }
0x6e: {  	_ =	shalt  }
0x6f: {  	_ =	shalt  }
0x70: {  	_ =	shalt  }
0x71: {  	_ =	shalt  }
0x72: {  	_ =	shalt  }
0x73: {  	_ =	shalt  }
0x74: {  	_ =	shalt  }
0x75: {  	_ =	shalt  }
0x76: {  	_ =	shalt  }
0x77: {  	_ =	shalt  }
0x78: {  	_ =	shalt  }
0x79: {  	_ =	shalt  }
0x7a: {  	_ =	shalt  }
0x7b: {  	_ =	shalt  }
0x7c: {  	_ =	shalt  }
0x7d: {  	_ =	shalt  }
0x7e: {  	_ =	shalt  }
0x7f: {  	_ =	shalt  }
0x80: {  	_ =	shalt  }
0x81: {  	_ =	shalt  }
0x82: {  	_ =	shalt  }
0x83: {  	_ =	shalt  }
0x84: {  	_ =	shalt  }
0x85: {  	_ =	shalt  }
0x86: {  	_ =	shalt  }
0x87: {  	_ =	shalt  }
.Lfunc_end0:
.L_simem_size_0:
called_computation.1_lowered:
.L_overlay_start_0:
0x88: {  	s2 =	sld [smem:$0x3FD9]  }
0x89: {  	s3 =	sld [smem:$0x3FFE];
	_ =	sdelay $0x1  }
0x8a: {  	s1 =	srdreg.scid  }
0x8b: {  	s0 =	sand.u32 $0x1, s1  }
0x8c: {  	s17 =	sshll.u32 s0, $0xA;
	s2 =	sadd.s32 s3, s2  }
0x8d: {  	s2 =	sadd.s32 s2, s17  }
0x8e: {  	[smem:$0x3FBE] =	sst s2  }
0x8f: {  	_ = 	snop  }
0x90: {  	s2 =	sld [smem:$0x3FD0];
	(tm) =	ssettm $0x1  }
0x91: {  	s18 =	sld [smem:$0x3FFB];
	_ =	sdelay $0x3  }
0x92: {  	_ =	strace s18  }
0x93: {  	s3 =	sld [smem:$0x3FFC];
	_ =	sdelay $0x3  }
0x94: {  	_ =	strace s3  }
0x95: {  	s3 =	sld [smem:$0x3FFD];
	_ =	sdelay $0x3  }
0x96: {  	_ =	strace s3  }
0x97: {  	_ =	strace $0x8FFFFFFF  }
0x98: {  	s19 =	sld [smem:$0x3FDB];
	_ =	sdelay $0x1  }
0x99: {  	s4 =	simm.s32 $_scs_section_size  }
0x9a: {  	s5 =	simm.s32 $_size__tile_overlayer_lowered;
	s6 =	simm.s32 $_tile_overlayer_lowered  }
0x9b: {  	s22 =	simm.s32 $0x1BFF;
	s21 =	sshll.u32 s6, $0x1;
	s3 =	sadd.s32 s4, s19  }
0x9c: {  	s7 =	simm.s32 $0x0;
	s20 =	sshll.u32 s5, $0x1;
	s5 =	sadd.s32 s21, s3  }
0x9d: {  	[timem:s7], [sflag:s22] =	dma.local [hbm:s5], s20  }
0x9e: {  	_ =	swait.ge [sflag:s22], s20  }
0x9f: {  	s4 =	ssub.s32 $0x0, s20;
	[sflag:s22] =	ssyncset.done $0x0  }
0xa0: {  	[sflag:s22] =	ssyncadd.s32 s4;
	_ =	sdelay $0x1  }
0xa1: {  	s23 =	simm.s32 $0x1B8B  }
0xa2: {  	_ =	swait.ge [sflag:s23], $0x1  }
0xa3: {  	[sflag:s23] =	ssyncset.done $0x0  }
0xa4: {  	s25 =	simm.s32 $0x1B8E;
	s24 =	sld [smem:$0x3FFE];
	[sflag:s23] =	ssyncadd.s32 $0xFFFFFFFF  }
0xa5: {  	s26 =	simm.s32 $execute0_lowered;
	[smem:$0x3FD2] =	sst s25  }
0xa6: {  	s5 =	sshll.u32 s26, $0x1;
	_ =	strace $0x80000049;
	[dreg:$0x1] =	wrdreg $0xFFFFFFFF  }
0xa7: {  	s28 =	simm.s32 $_size_execute0_lowered;
	s3 =	sadd.s32 s3, s5;
	[dreg:$0x0] =	wrdreg $0x0  }
0xa8: {  	s5 =	sshll.u32 s28, $0x1;
	[dreg:$0x2] =	wrdreg s3  }
0xa9: {  	[dreg:$0x3] =	wrdreg s5  }
0xaa: {  	[dreg:$0x4] =	wrdreg $0xC0  }
0xab: {  	_ =	task [dreg:s7], $0x5FFFF  }
0xac: {  	[dreg:$0x1] =	wrdreg $0xFFFFFFFF  }
0xad: {  	[dreg:$0x0] =	wrdreg $0x60  }
0xae: {  	[dreg:$0x2] =	wrdreg s2  }
0xaf: {  	[dreg:$0x3] =	wrdreg s24  }
0xb0: {  	[dreg:$0x4] =	wrdreg $0xBC000  }
0xb1: {  	[dreg:$0x5] =	wrdreg $0x9  }
0xb2: {  	_ =	task.clear_ibuf [dreg:s7], $0x6FFFF;
	_ =	strace $0x90000049  }
0xb3: {  	s29 =	simm.s32 $0x9;
	_ =	strace $0x8000004B  }
0xb4: {  	_ =	swait.ge [sflag:s29], $0x1  }
0xb5: {  	[sflag:s29] =	ssyncadd.s32 $0xFFFFFFFF  }
0xb6: {  	_ =	strace $0x9000004B  }
0xb7: {  	_ =	sfence  }
0xb8: {  	s30 =	sld [smem:$0x0];
	_ =	sdelay $0x2  }
0xb9: {  	s31 =	sshll.u32 s1, $0xD;
	s1 =	sshrl.u32 s1, $0x2  }
0xba: {  	s3 =	sand.u32 $0x4000, s31;
	s1 =	sadd.s32 s1, s30  }
0xbb: {  	s0 =	sor.u32 s3, s0;
	s1 =	sshll.u32 s1, $0x11  }
0xbc: {  	s0 =	sor.u32 s1, s0  }
0xbd: {  	s0 =	sadd.s32 $0x8F2B, s0  }
0xbe: {  	[sflag:s0] =	ssyncadd.remote.s32 $0x1  }
0xbf: {  	_ =	sfence.sel $0xFFFF  }
0xc0: {  	[dreg:$0x0] =	wrdreg $0xFFFFFFFF;
	(pc) =	sbr.abs _section_cstart, $3  }
0xc1: {  	[dreg:$0x1] =	wrdreg $0xFFFFFFFF  }
0xc2: {  	_ =	task.clear_ibuf [dreg:s7], $0x2FFFF;
	_ =	strace $0x9FFFFFFF  }
0xc3: {  	(tm) =	ssettm $0x7FFFFFFF  }
tec
execute0_lowered:
.L_overlay_start_1:
0x0: {  	(tag) =	ssettag $0x1  }
0x1: {  	s1 =	rddreg [dreg:$0x0]  }
0x2: {  	s5 =	rddreg [dreg:$0x1]  }
0x3: {  	s3 =	rddreg [dreg:$0x2]  }
0x4: {  	s0 =	srdreg.scid;
	s2 =	rddreg [dreg:$0x3];
	s4 =	simm.s32 $0x0  }
0x5: {  	s14 =	simm.s32 $0x2800;
	s15 =	simm.s32 $0x7D;
	s16 =	simm.s32 $0x3C00  }
0x6: {  	s17 =	simm.s32 $0x7C00;
	s18 =	simm.s32 $0x1;
	s6 =	sand.u32 $0x1, s0  }
0x7: {  	s19 =	simm.s32 $0x2;
	s0 =	stileid.u32;
	s7 =	smul.u32 $0x28000, s6  }
0x8: {  	s20 =	simm.s32 $0x2780;
	s21 =	simm.s32 $0x3B00;
	s8 =	smul.u32 $0x2800, s0  }
0x9: {  	s22 =	simm.s32 $0x3B80;
	[smem:$0x7FF] =	sst s4;
	s26 =	smul.u32 $0x14000, s0  }
0xa: {  	s23 =	simm.s32 $0x0;
	s9 =	smul.u32 $0x140000, s6;
	_ =	strace $0x8000004A  }
0xb: {  	s6 =	ssub.s32 $0x2, s6;
	s29 =	smul.u32 $0x50000, s0;
	s31 =	sshll.u32 s0, $0x6  }
0xc: {  	s11 =	sshrl.u32 s6, $0x1;
	s7 =	sadd.s32 s8, s7;
	s28 =	sshrl.u32 s26, $0x3  }
0xd: {  	s8 =	sadd.s32 s26, s9;
	s11 =	ssub.s32 s6, s11;
	s30 =	sshrl.u32 s29, $0x2  }
0xe: {  	s6 =	sor.u32 $0x1C03, s31;
	s7 =	sshrl.u32 s7, $0x3;
	s8 =	sshrl.u32 s8, $0x3  }
0xf: {  	s13 =	sadd.s32 s30, s3;
	s10 =	sadd.s32 s7, s5;
	s7 =	sadd.s32 s28, s5  }
0x10: {  	s11 =	smax.u32 s11, $0x1;
	s12 =	sadd.s32 s8, s5;
	s5 =	sadd.s32 $0x2600, s7  }
0x11: {  	s7 =	sadd.s32 $0xAC600, s10;
	s8 =	sadd.s32 $0xA2600, s10;
	s9 =	sadd.s32 $0xA2880, s10  }
0x12: {  	s10 =	sadd.s32 $0x2A600, s12;
	s12 =	sshrl.u32 s13, $0x3;
	s13 =	simm.s32 $0x3  }
.LBB2_1:
0x13: {  	[spmem:s12], [sflag:s6] =	dma.local [hbm:s5], $0x2800  }
0x14: {  	_ =	swait.ge [sflag:s13], $0x2800  }
0x15: {  	[sflag:s13] =	ssyncset.done $0x0  }
0x16: {  	[sflag:s13] =	ssyncadd.s32 $0xFFFFD800  }
0x17: {  	[tilespmem:s4], [sflag:$0x3] =	stream.linear.gather [hbm4b:s7+s4], $0x2800, $0x38;
	[tilespmem:$0x1FC00] =	vst v63  }
0x18: {  	_ =	swait.ge [sflag:s13], $0x2800  }
0x19: {  	[sflag:s13] =	ssyncset.done $0x0  }
0x1a: {  	[sflag:s13] =	ssyncadd.s32 $0xFFFFD800  }
0x1b: {  	[tilespmem:s14], [sflag:$0x3] =	stream.linear.gather [hbm4b:s8+s4], $0x1400, $0x38;
	[tilespmem:$0x1FC00] =	vst v63  }
0x1c: {  	_ =	swait.ge [sflag:s13], $0x1400  }
0x1d: {  	[sflag:s13] =	ssyncset.done $0x0  }
0x1e: {  	[sflag:s13] =	ssyncadd.s32 $0xFFFFEC00  }
0x1f: {  	[bflag:$0x0] =	sbarrier.arrive $0xFFFF  }
0x20: {  	[tilespmem:s16], [sflag:$0x1] =	stream.indirect.gather [hbm4b:s1+s15], $0x80, s4, s15, $0xb8;
	[tilespmem:$0x1FC00] =	vst v63  }
0x21: {  	s24 =	simm.s32 $0x80  }
0x22: {  	[tilespmem:s17], [sflag:$0x2] =	stream.indirect.gather [hbm4b:s1+s15], $0x80, s24, s15, $0xb8;
	[tilespmem:$0x1FC00] =	vst v63  }
0x23: {  	_ =	swait.ge [sflag:s18], $0x3E80  }
0x24: {  	[sflag:s18] =	ssyncset.done $0x0  }
0x25: {  	s29 =	simm.s32 $0x2800;
	[sflag:s18] =	ssyncadd.s32 $0xFFFFC180  }
0x26: {  	[spmem:s3] =	stream.indirect.scatter.add.f32 [tilespmem:s16], [sflag:$0x3], $0x80, s29, s15, $0xb8;
	[tilespmem:$0x1FC00] =	vst v63  }
0x27: {  	_ =	swait.ge [sflag:s13], $0x3E80  }
0x28: {  	[sflag:s13] =	ssyncset.done $0x0  }
0x29: {  	s30 =	simm.s32 $0x100;
	[sflag:s13] =	ssyncadd.s32 $0xFFFFC180  }
0x2a: {  	[tilespmem:s16], [sflag:$0x1] =	stream.indirect.gather [hbm4b:s1+s15], $0x80, s30, s15, $0xb8;
	[tilespmem:$0x1FC00] =	vst v63  }
0x2b: {  	_ =	swait.ge [sflag:s19], $0x3E80  }
0x2c: {  	[sflag:s19] =	ssyncset.done $0x0  }
0x2d: {  	s31 =	simm.s32 $0x2880;
	[sflag:s19] =	ssyncadd.s32 $0xFFFFC180  }
0x2e: {  	[spmem:s3] =	stream.indirect.scatter.add.f32 [tilespmem:s17], [sflag:$0x3], $0x80, s31, s15, $0xb8;
	[tilespmem:$0x1FC00] =	vst v63  }
0x2f: {  	_ =	swait.ge [sflag:s13], $0x3E80  }
0x30: {  	s25 =	simm.s32 $0x800;
	s24 =	simm.s32 $0x100;
	[sflag:s13] =	ssyncset.done $0x0  }
.LBB2_2:
0x31: {  	s26 =	sadd.s32 $0x80, s24  }
0x32: {  	[sflag:s13] =	ssyncadd.s32 $0xFFFFC180;
	s28 =	smov.u32 s25;
	s29 =	sadd.s32 $0x400, s25  }
0x33: {  	[tilespmem:s17], [sflag:$0x2] =	stream.indirect.gather [hbm4b:s1+s15], $0x80, s26, s15, $0xb8;
	[tilespmem:$0x1FC00] =	vst v63  }
0x34: {  	p0 =	sne.s32 s25, $0x4C00;
	_ =	swait.ge [sflag:s18], $0x3E80  }
0x35: {  	[sflag:s18] =	ssyncset.done $0x0  }
0x36: {  	s25 =	sadd.s32 $0x2800, s24;
	[sflag:s18] =	ssyncadd.s32 $0xFFFFC180  }
0x37: {  	[spmem:s3] =	stream.indirect.scatter.add.f32 [tilespmem:s16], [sflag:$0x3], $0x80, s25, s15, $0xb8;
	[tilespmem:$0x1FC00] =	vst v63  }
0x38: {  	_ =	swait.ge [sflag:s13], $0x3E80  }
0x39: {  	[sflag:s13] =	ssyncset.done $0x0  }
0x3a: {  	s25 =	sadd.s32 $0x100, s24;
	[sflag:s13] =	ssyncadd.s32 $0xFFFFC180  }
0x3b: {  	[tilespmem:s16], [sflag:$0x1] =	stream.indirect.gather [hbm4b:s1+s15], $0x80, s25, s15, $0xb8;
	[tilespmem:$0x1FC00] =	vst v63  }
0x3c: {  	_ =	swait.ge [sflag:s19], $0x3E80  }
.Ltmp0:
0x3d: {  	[sflag:s19] =	ssyncset.done $0x0;
	(pc) =	sbr.rel @p0 .LBB2_2-.Ltmp0, $4  }
0x3e: {  	s24 =	sadd.s32 $0x2880, s24;
	[sflag:s19] =	ssyncadd.s32 $0xFFFFC180  }
0x3f: {  	[spmem:s3] =	stream.indirect.scatter.add.f32 [tilespmem:s17], [sflag:$0x3], $0x80, s24, s15, $0xb8;
	[tilespmem:$0x1FC00] =	vst v63  }
0x40: {  	_ =	swait.ge [sflag:s13], $0x3E80  }
0x41: {  	s25 =	smov.u32 s29;
	s24 =	sshra.s32 s28, $0x2;
	[sflag:s13] =	ssyncset.done $0x0  }
0x42: {  	s25 =	sadd.s32 $0x80, s24;
	[sflag:s13] =	ssyncadd.s32 $0xFFFFC180  }
0x43: {  	[tilespmem:s17], [sflag:$0x2] =	stream.indirect.gather [hbm4b:s1+s15], $0x80, s25, s15, $0xb8;
	[tilespmem:$0x1FC00] =	vst v63  }
0x44: {  	_ =	swait.ge [sflag:s18], $0x3E80  }
0x45: {  	[sflag:s18] =	ssyncset.done $0x0  }
0x46: {  	s30 =	sadd.s32 $0x2800, s24;
	[sflag:s18] =	ssyncadd.s32 $0xFFFFC180  }
0x47: {  	[spmem:s3] =	stream.indirect.scatter.add.f32 [tilespmem:s16], [sflag:$0x3], $0x80, s30, s15, $0xb8;
	[tilespmem:$0x1FC00] =	vst v63  }
0x48: {  	_ =	swait.ge [sflag:s13], $0x3E80  }
0x49: {  	[sflag:s13] =	ssyncset.done $0x0  }
0x4a: {  	s31 =	sadd.s32 $0x100, s24;
	[sflag:s13] =	ssyncadd.s32 $0xFFFFC180  }
0x4b: {  	[tilespmem:s16], [sflag:$0x1] =	stream.indirect.gather [hbm4b:s1+s15], $0x80, s31, s15, $0xb8;
	[tilespmem:$0x1FC00] =	vst v63  }
0x4c: {  	_ =	swait.ge [sflag:s19], $0x3E80  }
0x4d: {  	[sflag:s19] =	ssyncset.done $0x0  }
0x4e: {  	s25 =	sadd.s32 $0x2880, s24;
	[sflag:s19] =	ssyncadd.s32 $0xFFFFC180  }
0x4f: {  	[spmem:s3] =	stream.indirect.scatter.add.f32 [tilespmem:s17], [sflag:$0x3], $0x80, s25, s15, $0xb8;
	[tilespmem:$0x1FC00] =	vst v63  }
0x50: {  	_ =	swait.ge [sflag:s13], $0x3E80  }
0x51: {  	[sflag:s13] =	ssyncset.done $0x0  }
0x52: {  	s26 =	simm.s32 $0x0;
	[sflag:s13] =	ssyncadd.s32 $0xFFFFC180  }
0x53: {  	[tilespmem:s14], [sflag:$0x3] =	stream.linear.gather [hbm4b:s9+s26], $0x1400, $0x38;
	[tilespmem:$0x1FC00] =	vst v63  }
0x54: {  	_ =	swait.ge [sflag:s13], $0x1400  }
0x55: {  	[sflag:s13] =	ssyncset.done $0x0  }
0x56: {  	s28 =	simm.s32 $0x1480;
	[sflag:s13] =	ssyncadd.s32 $0xFFFFEC00  }
0x57: {  	[tilespmem:s17], [sflag:$0x2] =	stream.indirect.gather [hbm4b:s1+s15], $0x80, s28, s15, $0xb8;
	[tilespmem:$0x1FC00] =	vst v63  }
0x58: {  	_ =	swait.ge [sflag:s18], $0x3E80  }
0x59: {  	[sflag:s18] =	ssyncset.done $0x0  }
0x5a: {  	s29 =	simm.s32 $0x2800;
	[sflag:s18] =	ssyncadd.s32 $0xFFFFC180  }
0x5b: {  	[spmem:s3] =	stream.indirect.scatter.add.f32 [tilespmem:s16], [sflag:$0x3], $0x80, s29, s15, $0xb8;
	[tilespmem:$0x1FC00] =	vst v63  }
0x5c: {  	_ =	swait.ge [sflag:s13], $0x3E80  }
0x5d: {  	[sflag:s13] =	ssyncset.done $0x0  }
0x5e: {  	s30 =	simm.s32 $0x1500;
	[sflag:s13] =	ssyncadd.s32 $0xFFFFC180  }
0x5f: {  	[tilespmem:s16], [sflag:$0x1] =	stream.indirect.gather [hbm4b:s1+s15], $0x80, s30, s15, $0xb8;
	[tilespmem:$0x1FC00] =	vst v63  }
0x60: {  	_ =	swait.ge [sflag:s19], $0x3E80  }
0x61: {  	[sflag:s19] =	ssyncset.done $0x0  }
0x62: {  	s31 =	simm.s32 $0x2880;
	[sflag:s19] =	ssyncadd.s32 $0xFFFFC180  }
0x63: {  	[spmem:s3] =	stream.indirect.scatter.add.f32 [tilespmem:s17], [sflag:$0x3], $0x80, s31, s15, $0xb8;
	[tilespmem:$0x1FC00] =	vst v63  }
0x64: {  	_ =	swait.ge [sflag:s13], $0x3E80  }
0x65: {  	s24 =	simm.s32 $0x100;
	s25 =	simm.s32 $0x800;
	[sflag:s13] =	ssyncset.done $0x0  }
.LBB2_4:
0x66: {  	s26 =	sadd.s32 $0x1480, s24  }
0x67: {  	[sflag:s13] =	ssyncadd.s32 $0xFFFFC180;
	s28 =	smov.u32 s25;
	s29 =	sadd.s32 $0x400, s25  }
0x68: {  	[tilespmem:s17], [sflag:$0x2] =	stream.indirect.gather [hbm4b:s1+s15], $0x80, s26, s15, $0xb8;
	[tilespmem:$0x1FC00] =	vst v63  }
0x69: {  	p0 =	sne.s32 s25, $0x4800;
	_ =	swait.ge [sflag:s18], $0x3E80  }
0x6a: {  	[sflag:s18] =	ssyncset.done $0x0  }
0x6b: {  	s25 =	sadd.s32 $0x2800, s24;
	[sflag:s18] =	ssyncadd.s32 $0xFFFFC180  }
0x6c: {  	[spmem:s3] =	stream.indirect.scatter.add.f32 [tilespmem:s16], [sflag:$0x3], $0x80, s25, s15, $0xb8;
	[tilespmem:$0x1FC00] =	vst v63  }
0x6d: {  	_ =	swait.ge [sflag:s13], $0x3E80  }
0x6e: {  	[sflag:s13] =	ssyncset.done $0x0  }
0x6f: {  	s25 =	sadd.s32 $0x1500, s24;
	[sflag:s13] =	ssyncadd.s32 $0xFFFFC180  }
0x70: {  	[tilespmem:s16], [sflag:$0x1] =	stream.indirect.gather [hbm4b:s1+s15], $0x80, s25, s15, $0xb8;
	[tilespmem:$0x1FC00] =	vst v63  }
0x71: {  	_ =	swait.ge [sflag:s19], $0x3E80  }
.Ltmp1:
0x72: {  	[sflag:s19] =	ssyncset.done $0x0;
	(pc) =	sbr.rel @p0 .LBB2_4-.Ltmp1, $4  }
0x73: {  	s24 =	sadd.s32 $0x2880, s24;
	[sflag:s19] =	ssyncadd.s32 $0xFFFFC180  }
0x74: {  	[spmem:s3] =	stream.indirect.scatter.add.f32 [tilespmem:s17], [sflag:$0x3], $0x80, s24, s15, $0xb8;
	[tilespmem:$0x1FC00] =	vst v63  }
0x75: {  	_ =	swait.ge [sflag:s13], $0x3E80  }
0x76: {  	s25 =	smov.u32 s29;
	s24 =	sshra.s32 s28, $0x2;
	[sflag:s13] =	ssyncset.done $0x0  }
0x77: {  	s25 =	sadd.s32 $0x1480, s24;
	[sflag:s13] =	ssyncadd.s32 $0xFFFFC180  }
0x78: {  	[tilespmem:s17], [sflag:$0x2] =	stream.indirect.gather [hbm4b:s1+s15], $0x80, s25, s15, $0xb8;
	[tilespmem:$0x1FC00] =	vst v63  }
0x79: {  	_ =	swait.ge [sflag:s18], $0x3E80  }
0x7a: {  	[sflag:s18] =	ssyncset.done $0x0  }
0x7b: {  	s29 =	sadd.s32 $0x2800, s24;
	[sflag:s18] =	ssyncadd.s32 $0xFFFFC180  }
0x7c: {  	[spmem:s3] =	stream.indirect.scatter.add.f32 [tilespmem:s16], [sflag:$0x3], $0x80, s29, s15, $0xb8;
	[tilespmem:$0x1FC00] =	vst v63  }
0x7d: {  	_ =	swait.ge [sflag:s13], $0x3E80  }
0x7e: {  	[sflag:s13] =	ssyncset.done $0x0  }
0x7f: {  	s30 =	sadd.s32 $0x1500, s24;
	[sflag:s13] =	ssyncadd.s32 $0xFFFFC180  }
0x80: {  	[tilespmem:s16], [sflag:$0x1] =	stream.indirect.gather [hbm4b:s1+s15], $0x80, s30, s15, $0xb8;
	[tilespmem:$0x1FC00] =	vst v63  }
0x81: {  	_ =	swait.ge [sflag:s19], $0x3E80  }
0x82: {  	[sflag:s19] =	ssyncset.done $0x0  }
0x83: {  	s31 =	sadd.s32 $0x2880, s24;
	[sflag:s19] =	ssyncadd.s32 $0xFFFFC180  }
0x84: {  	[spmem:s3] =	stream.indirect.scatter.add.f32 [tilespmem:s17], [sflag:$0x3], $0x80, s31, s15, $0xb8;
	[tilespmem:$0x1FC00] =	vst v63  }
0x85: {  	_ =	swait.ge [sflag:s13], $0x3E80  }
0x86: {  	[sflag:s13] =	ssyncset.done $0x0  }
0x87: {  	[sflag:s13] =	ssyncadd.s32 $0xFFFFC180  }
0x88: {  	[tilespmem:s17], [sflag:$0x2] =	stream.indirect.gather [hbm4b:s1+s15], $0x80, s20, s15, $0xb8;
	[tilespmem:$0x1FC00] =	vst v63  }
0x89: {  	_ =	swait.ge [sflag:s18], $0x3E80  }
0x8a: {  	[sflag:s18] =	ssyncset.done $0x0  }
0x8b: {  	[sflag:s18] =	ssyncadd.s32 $0xFFFFC180  }
0x8c: {  	[spmem:s3] =	stream.indirect.scatter.add.f32 [tilespmem:s16], [sflag:$0x3], $0x80, s21, s15, $0xb8;
	[tilespmem:$0x1FC00] =	vst v63  }
0x8d: {  	_ =	swait.ge [sflag:s13], $0x3E80  }
0x8e: {  	[sflag:s13] =	ssyncset.done $0x0  }
0x8f: {  	[sflag:s13] =	ssyncadd.s32 $0xFFFFC180  }
0x90: {  	[tilespmem:s16], [sflag:$0x1] =	stream.indirect.gather [hbm4b:s1+s15], $0x80, s20, s15, $0xb8;
	[tilespmem:$0x1FC00] =	vst v63  }
0x91: {  	_ =	swait.ge [sflag:s19], $0x3E80  }
0x92: {  	[sflag:s19] =	ssyncset.done $0x0  }
0x93: {  	[sflag:s19] =	ssyncadd.s32 $0xFFFFC180  }
0x94: {  	[spmem:s3] =	stream.indirect.scatter.add.f32 [tilespmem:s17], [sflag:$0x3], $0x80, s22, s15, $0xb8;
	[tilespmem:$0x1FC00] =	vst v63  }
0x95: {  	_ =	swait.ge [sflag:s13], $0x3E80  }
0x96: {  	[sflag:s13] =	ssyncset.done $0x0  }
0x97: {  	[sflag:s13] =	ssyncadd.s32 $0xFFFFC180  }
0x98: {  	_ =	swait.ge [sflag:s18], $0x3E80  }
0x99: {  	s23 =	sadd.s32 $0x1, s23;
	[sflag:s18] =	ssyncset.done $0x0  }
0x9a: {  	p0 =	sne.s32 s23, s11;
	[sflag:s18] =	ssyncadd.s32 $0xFFFFC180  }
.Ltmp2:
0x9b: {  	[bflag:$0x0] =	sbarrier.arrive $0xFFFF;
	(pc) =	sbr.rel @p0 .LBB2_1-.Ltmp2, $4  }
0x9c: {  	[hbm:s10], [sflag:s6] =	dma.local [spmem:s12], $0x2800  }
0x9d: {  	_ =	swait.ge [sflag:s13], $0x2800  }
0x9e: {  	[sflag:s13] =	ssyncset.done $0x0  }
0x9f: {  	[sflag:s13] =	ssyncadd.s32 $0xFFFFD800  }
0xa0: {  	_ =	sfence.sel $0x180000  }
0xa1: {  	[bflag:$0x0] =	sbarrier.arrive $0xFFFF  }
0xa2: {  	p0 =	sne.s32 s0, $0x0;
	_ =	strace $0x9000004A  }
0xa3: {  	s0 =	sadd.s32 @!p0 $0x100000, s2;
	[bflag:$0x2] =	sbarrier.arrive $0xFFFF  }
0xa4: {  	[sflag:s0] =	ssyncadd.tile.s32 @!p0 $0x1;
	_ =	shalt  }
.Lfunc_end2:
_tile_overlayer_lowered:
.L_overlay_start_2:
0xa5: {  	(tag) =	ssettag $0x2  }
0xa6: {  	s0 =	rddreg [dreg:$0x0];
	s2 =	stileid.u32  }
0xa7: {  	s1 =	rddreg [dreg:$0x1];
	p0 =	sne.s32 s2, $0x0  }
0xa8: {  	s3 =	rddreg [dreg:$0x2];
	[bflag:$0x3] =	sbarrier.arrive $0xFFFF;
	s2 =	simm.s32 @!p0 $0x1C03  }
0xa9: {  	[timem:s3], [sflag:s2] =	dma.local @!p0 [hbm:s0], s1  }
0xaa: {  	s0 =	simm.s32 @!p0 $0x3  }
0xab: {  	_ =	swait.ge @!p0 [sflag:s0], s1  }
0xac: {  	s1 =	ssub.s32 @!p0 $0x0, s1;
	[sflag:s0] =	ssyncset.done @!p0 $0x0  }
0xad: {  	[sflag:s0] =	ssyncadd.s32 @!p0 s1  }
0xae: {  	[bflag:$0x3] =	sbarrier.arrive $0xFFFF  }
0xaf: {  	_ =	shalt  }

// kernel: kernel.15.cloned.1.call-start
scs
__scs_entry_jumppad:
0x0: {  	(pc) =	sbr.rel $0x88, $3  }
0x1: {  	(tag) =	ssettag $0x0;
	lr =	simm.s32 $0x1  }
0x2: {  	[smem:$0x3F97] =	sst lr;
	_ =	strace $0xD0000000  }
0x3: {  	_ = 	snop  }
0x4: {  	_ = 	snop  }
0x5: {  	_ = 	snop  }
0x6: {  	_ = 	snop  }
0x7: {  	_ = 	snop  }
__scs_overlays_trampoline_lowered:
0x8: {  	[smem:$0x3FA6] =	sst s0  }
0x9: {  	[smem:$0x3FA7] =	sst s1  }
0xa: {  	[smem:$0x3FA8] =	sst s2  }
0xb: {  	[smem:$0x3FA9] =	sst s3  }
0xc: {  	[smem:$0x3FAA] =	sst s4  }
0xd: {  	[smem:$0x3FAB] =	sst s5  }
0xe: {  	[smem:$0x3FAC] =	sst s6  }
0xf: {  	[smem:$0x3FAD] =	sst s7  }
0x10: {  	[smem:$0x3FAE] =	sst s8  }
0x11: {  	[smem:$0x3FAF] =	sst s9;
	s0 =	simm.s32 @!p0 $0x0  }
0x12: {  	s1 =	sld [smem:$0x3F95];
	s0 =	simm.s32 @p0 $0x1  }
0x13: {  	[smem:$0x3FB0] =	sst s0;
	s0 =	simm.s32 @!p1 $0x0  }
0x14: {  	s2 =	sld [smem:$0x3F94];
	s0 =	simm.s32 @p1 $0x1  }
0x15: {  	[smem:$0x3FB1] =	sst s0;
	s0 =	simm.s32 @!p2 $0x0  }
0x16: {  	s3 =	sld [smem:$0x3FDB];
	s0 =	simm.s32 @p2 $0x1  }
0x17: {  	s4 =	simm.s32 $0x1BF5;
	[smem:$0x3FB3] =	sst s0  }
0x18: {  	s0 =	sld [smem:$0x3F96];
	_ =	swait.ge [sflag:s4], $0x0  }
0x19: {  	s7 =	sld [smem:$0x3F97]  }
0x1a: {  	s8 =	sadd.s32 $0xFFFFE003, lr  }
0x1b: {  	s9 =	sadd.s32 $0xFFFFFEF7, lr;
	s5 =	simm.s32 $0xFFFFFFFF;
	p2 =	slt.u32 s8, $0xFFFFF086  }
0x1c: {  	p1 =	slt.u32 s9, $0xF7A;
	s5 =	simm.s32 @!p2 $0x0  }
0x1d: {  	s5 =	simm.s32 @p1 $0x1;
	p0 =	seq.s32 s7, s2  }
0x1e: {  	s7 =	smul.u32 @!p0 $0xF7A, s2;
	p2 =	seq.s32 @!p0 s5, $0x0  }
0x1f: {  	s9 =	smul.u32 $0xF7A, s1;
	s8 =	simm.s32 @!p0 $0x1BF5;
	p2 =	por !p2, p0  }
0x20: {  	[sflag:s8] =	ssyncset.s32 @!p0 $0xFFFFF086;
	s6 =	sadd.s32 @!p0 s3, s7;
	s7 =	simm.s32 @!p0 $0x108  }
0x21: {  	s3 =	sadd.s32 s3, s9;
	s6 =	sadd.s32 @!p0 $0x88, s6;
	s7 =	simm.s32 @p2 $0x1082  }
0x22: {  	[simem:s7], [sflag:s8] =	dma.local @!p0 [hbm:s6], $0xF7A  }
0x23: {  	s9 =	sor.u32 $0xD0000000, s2;
	s6 =	simm.s32 $0x108;
	_ =	swait.ge @!p0 [sflag:s8], $0x0  }
0x24: {  	s3 =	sadd.s32 $0x88, s3;
	s6 =	simm.s32 @!p1 $0x1082;
	[sflag:s4] =	ssyncset.s32 $0xFFFFF086  }
0x25: {  	[simem:s6], [sflag:s4] =	dma.local [hbm:s3], $0xF7A  }
0x26: {  	[smem:$0x3F97] =	sst s1;
	(tag) =	ssettag s2;
	_ =	strace s9  }
0x27: {  	s1 =	sld [smem:$0x3FA7]  }
0x28: {  	s2 =	sld [smem:$0x3FA8]  }
0x29: {  	s4 =	sld [smem:$0x3FAA]  }
0x2a: {  	p0 =	seq.s32 s5, $0x0;
	s5 =	sld [smem:$0x3FAB]  }
0x2b: {  	s6 =	sld [smem:$0x3FAC]  }
0x2c: {  	s7 =	sld [smem:$0x3FAD]  }
0x2d: {  	s3 =	simm.s32 $0x108;
	s8 =	sld [smem:$0x3FAE]  }
0x2e: {  	s3 =	simm.s32 @!p0 $0x1082;
	s9 =	sld [smem:$0x3FAF]  }
0x2f: {  	lr =	sadd.s32 s0, s3;
	s0 =	sld [smem:$0x3FA6]  }
0x30: {  	s3 =	sld [smem:$0x3FA9]  }
0x31: {  	[smem:$0x3FB2] =	sst s10  }
0x32: {  	s10 =	sld [smem:$0x3FB0];
	_ =	sdelay $0x3  }
0x33: {  	p0 =	seq.s32 s10, $0x1;
	s10 =	sld [smem:$0x3FB2];
	_ =	sdelay $0x3  }
0x34: {  	[smem:$0x3FB2] =	sst s10  }
0x35: {  	s10 =	sld [smem:$0x3FB1];
	_ =	sdelay $0x3  }
0x36: {  	p1 =	seq.s32 s10, $0x1;
	s10 =	sld [smem:$0x3FB2];
	_ =	sdelay $0x3  }
0x37: {  	[smem:$0x3FB2] =	sst s10  }
0x38: {  	s10 =	sld [smem:$0x3FB3]  }
0x39: {  	_ = 	snop;
	(pc) =	sbr.ind lr, $3  }
0x3a: {  	_ = 	snop  }
0x3b: {  	_ = 	snop  }
0x3c: {  	p2 =	seq.s32 s10, $0x1;
	s10 =	sld [smem:$0x3FB2]  }
0x3d: {  	_ =	shalt  }
0x3e: {  	_ =	shalt  }
0x3f: {  	_ =	shalt  }
0x40: {  	_ =	shalt  }
0x41: {  	_ =	shalt  }
0x42: {  	_ =	shalt  }
0x43: {  	_ =	shalt  }
0x44: {  	_ =	shalt  }
0x45: {  	_ =	shalt  }
0x46: {  	_ =	shalt  }
0x47: {  	_ =	shalt  }
0x48: {  	_ =	shalt  }
0x49: {  	_ =	shalt  }
0x4a: {  	_ =	shalt  }
0x4b: {  	_ =	shalt  }
0x4c: {  	_ =	shalt  }
0x4d: {  	_ =	shalt  }
0x4e: {  	_ =	shalt  }
0x4f: {  	_ =	shalt  }
0x50: {  	_ =	shalt  }
0x51: {  	_ =	shalt  }
0x52: {  	_ =	shalt  }
0x53: {  	_ =	shalt  }
0x54: {  	_ =	shalt  }
0x55: {  	_ =	shalt  }
0x56: {  	_ =	shalt  }
0x57: {  	_ =	shalt  }
0x58: {  	_ =	shalt  }
0x59: {  	_ =	shalt  }
0x5a: {  	_ =	shalt  }
0x5b: {  	_ =	shalt  }
0x5c: {  	_ =	shalt  }
0x5d: {  	_ =	shalt  }
0x5e: {  	_ =	shalt  }
0x5f: {  	_ =	shalt  }
0x60: {  	_ =	shalt  }
0x61: {  	_ =	shalt  }
0x62: {  	_ =	shalt  }
0x63: {  	_ =	shalt  }
0x64: {  	_ =	shalt  }
0x65: {  	_ =	shalt  }
0x66: {  	_ =	shalt  }
0x67: {  	_ =	shalt  }
0x68: {  	_ =	shalt  }
0x69: {  	_ =	shalt  }
0x6a: {  	_ =	shalt  }
0x6b: {  	_ =	shalt  }
0x6c: {  	_ =	shalt  }
0x6d: {  	_ =	shalt  }
0x6e: {  	_ =	shalt  }
0x6f: {  	_ =	shalt  }
0x70: {  	_ =	shalt  }
0x71: {  	_ =	shalt  }
0x72: {  	_ =	shalt  }
0x73: {  	_ =	shalt  }
0x74: {  	_ =	shalt  }
0x75: {  	_ =	shalt  }
0x76: {  	_ =	shalt  }
0x77: {  	_ =	shalt  }
0x78: {  	_ =	shalt  }
0x79: {  	_ =	shalt  }
0x7a: {  	_ =	shalt  }
0x7b: {  	_ =	shalt  }
0x7c: {  	_ =	shalt  }
0x7d: {  	_ =	shalt  }
0x7e: {  	_ =	shalt  }
0x7f: {  	_ =	shalt  }
0x80: {  	_ =	shalt  }
0x81: {  	_ =	shalt  }
0x82: {  	_ =	shalt  }
0x83: {  	_ =	shalt  }
0x84: {  	_ =	shalt  }
0x85: {  	_ =	shalt  }
0x86: {  	_ =	shalt  }
0x87: {  	_ =	shalt  }
.Lfunc_end0:
.L_simem_size_0:
called_computation.2_lowered:
.L_overlay_start_0:
0x88: {  	s2 =	sld [smem:$0x3FD9]  }
0x89: {  	s3 =	sld [smem:$0x3FFE];
	_ =	sdelay $0x1  }
0x8a: {  	s1 =	srdreg.scid  }
0x8b: {  	s0 =	sand.u32 $0x1, s1  }
0x8c: {  	s17 =	sshll.u32 s0, $0xA;
	s2 =	sadd.s32 s3, s2  }
0x8d: {  	s2 =	sadd.s32 s2, s17  }
0x8e: {  	[smem:$0x3FBE] =	sst s2  }
0x8f: {  	_ = 	snop  }
0x90: {  	s2 =	sld [smem:$0x3FD0];
	(tm) =	ssettm $0x1  }
0x91: {  	s18 =	sld [smem:$0x3FFB];
	_ =	sdelay $0x3  }
0x92: {  	_ =	strace s18  }
0x93: {  	s3 =	sld [smem:$0x3FFC];
	_ =	sdelay $0x3  }
0x94: {  	_ =	strace s3  }
0x95: {  	s3 =	sld [smem:$0x3FFD];
	_ =	sdelay $0x3  }
0x96: {  	_ =	strace s3  }
0x97: {  	_ =	strace $0x8FFFFFFF  }
0x98: {  	s19 =	sld [smem:$0x3FDB];
	_ =	sdelay $0x1  }
0x99: {  	s4 =	simm.s32 $_scs_section_size  }
0x9a: {  	s5 =	simm.s32 $_size__tile_overlayer_lowered;
	s6 =	simm.s32 $_tile_overlayer_lowered  }
0x9b: {  	s22 =	simm.s32 $0x1BFF;
	s21 =	sshll.u32 s6, $0x1;
	s3 =	sadd.s32 s4, s19  }
0x9c: {  	s7 =	simm.s32 $0x0;
	s20 =	sshll.u32 s5, $0x1;
	s5 =	sadd.s32 s21, s3  }
0x9d: {  	[timem:s7], [sflag:s22] =	dma.local [hbm:s5], s20  }
0x9e: {  	_ =	swait.ge [sflag:s22], s20  }
0x9f: {  	s4 =	ssub.s32 $0x0, s20;
	[sflag:s22] =	ssyncset.done $0x0  }
0xa0: {  	[sflag:s22] =	ssyncadd.s32 s4;
	_ =	sdelay $0x1  }
0xa1: {  	s23 =	simm.s32 $0x1B8B  }
0xa2: {  	_ =	swait.ge [sflag:s23], $0x1  }
0xa3: {  	[sflag:s23] =	ssyncset.done $0x0  }
0xa4: {  	s25 =	simm.s32 $0x1B8E;
	s24 =	sld [smem:$0x3FFE];
	[sflag:s23] =	ssyncadd.s32 $0xFFFFFFFF  }
0xa5: {  	s26 =	simm.s32 $execute0_lowered;
	[smem:$0x3FD2] =	sst s25  }
0xa6: {  	s5 =	sshll.u32 s26, $0x1;
	_ =	strace $0x8000004C;
	[dreg:$0x1] =	wrdreg $0xFFFFFFFF  }
0xa7: {  	s28 =	simm.s32 $_size_execute0_lowered;
	s3 =	sadd.s32 s3, s5;
	[dreg:$0x0] =	wrdreg $0x0  }
0xa8: {  	s5 =	sshll.u32 s28, $0x1;
	[dreg:$0x2] =	wrdreg s3  }
0xa9: {  	[dreg:$0x3] =	wrdreg s5  }
0xaa: {  	[dreg:$0x4] =	wrdreg $0xC0  }
0xab: {  	_ =	task [dreg:s7], $0x5FFFF  }
0xac: {  	[dreg:$0x1] =	wrdreg $0xFFFFFFFF  }
0xad: {  	[dreg:$0x0] =	wrdreg $0x60  }
0xae: {  	[dreg:$0x2] =	wrdreg s2  }
0xaf: {  	[dreg:$0x3] =	wrdreg s24  }
0xb0: {  	[dreg:$0x4] =	wrdreg $0xBC000  }
0xb1: {  	[dreg:$0x5] =	wrdreg $0x9  }
0xb2: {  	_ =	task.clear_ibuf [dreg:s7], $0x6FFFF;
	_ =	strace $0x9000004C  }
0xb3: {  	s29 =	simm.s32 $0x9;
	_ =	strace $0x8000004E  }
0xb4: {  	_ =	swait.ge [sflag:s29], $0x1  }
0xb5: {  	[sflag:s29] =	ssyncadd.s32 $0xFFFFFFFF  }
0xb6: {  	_ =	strace $0x9000004E  }
0xb7: {  	_ =	sfence  }
0xb8: {  	s30 =	sld [smem:$0x0];
	_ =	sdelay $0x2  }
0xb9: {  	s31 =	sshll.u32 s1, $0xD;
	s1 =	sshrl.u32 s1, $0x2  }
0xba: {  	s3 =	sand.u32 $0x4000, s31;
	s1 =	sadd.s32 s1, s30  }
0xbb: {  	s0 =	sor.u32 s3, s0;
	s1 =	sshll.u32 s1, $0x11  }
0xbc: {  	s0 =	sor.u32 s1, s0  }
0xbd: {  	s0 =	sadd.s32 $0x8F2B, s0  }
0xbe: {  	[sflag:s0] =	ssyncadd.remote.s32 $0x1  }
0xbf: {  	_ =	sfence.sel $0xFFFF  }
0xc0: {  	[dreg:$0x0] =	wrdreg $0xFFFFFFFF;
	(pc) =	sbr.abs _section_cstart, $3  }
0xc1: {  	[dreg:$0x1] =	wrdreg $0xFFFFFFFF  }
0xc2: {  	_ =	task.clear_ibuf [dreg:s7], $0x2FFFF;
	_ =	strace $0x9FFFFFFF  }
0xc3: {  	(tm) =	ssettm $0x7FFFFFFF  }
tec
execute0_lowered:
.L_overlay_start_1:
0x0: {  	(tag) =	ssettag $0x1  }
0x1: {  	s1 =	rddreg [dreg:$0x0]  }
0x2: {  	s5 =	rddreg [dreg:$0x1]  }
0x3: {  	s3 =	rddreg [dreg:$0x2]  }
0x4: {  	s0 =	srdreg.scid;
	s2 =	rddreg [dreg:$0x3];
	s4 =	simm.s32 $0x0  }
0x5: {  	s14 =	simm.s32 $0x2800;
	s15 =	simm.s32 $0x7D;
	s16 =	simm.s32 $0x3C00  }
0x6: {  	s17 =	simm.s32 $0x7C00;
	s18 =	simm.s32 $0x1;
	s6 =	sand.u32 $0x1, s0  }
0x7: {  	s19 =	simm.s32 $0x2;
	s0 =	stileid.u32;
	s7 =	smul.u32 $0x28000, s6  }
0x8: {  	s20 =	simm.s32 $0x2780;
	s21 =	simm.s32 $0x3B00;
	s8 =	smul.u32 $0x2800, s0  }
0x9: {  	s22 =	simm.s32 $0x3B80;
	[smem:$0x7FF] =	sst s4;
	s26 =	smul.u32 $0x14000, s0  }
0xa: {  	s23 =	simm.s32 $0x0;
	s9 =	smul.u32 $0x140000, s6;
	_ =	strace $0x8000004D  }
0xb: {  	s6 =	ssub.s32 $0x2, s6;
	s29 =	smul.u32 $0x50000, s0;
	s31 =	sshll.u32 s0, $0x6  }
0xc: {  	s11 =	sshrl.u32 s6, $0x1;
	s7 =	sadd.s32 s8, s7;
	s28 =	sshrl.u32 s26, $0x3  }
0xd: {  	s8 =	sadd.s32 s26, s9;
	s11 =	ssub.s32 s6, s11;
	s30 =	sshrl.u32 s29, $0x2  }
0xe: {  	s6 =	sor.u32 $0x1C03, s31;
	s7 =	sshrl.u32 s7, $0x3;
	s8 =	sshrl.u32 s8, $0x3  }
0xf: {  	s13 =	sadd.s32 s30, s3;
	s10 =	sadd.s32 s7, s5;
	s7 =	sadd.s32 s28, s5  }
0x10: {  	s11 =	smax.u32 s11, $0x1;
	s12 =	sadd.s32 s8, s5;
	s5 =	sadd.s32 $0x2600, s7  }
0x11: {  	s7 =	sadd.s32 $0xAC600, s10;
	s8 =	sadd.s32 $0xA2600, s10;
	s9 =	sadd.s32 $0xA2880, s10  }
0x12: {  	s10 =	sadd.s32 $0x2A600, s12;
	s12 =	sshrl.u32 s13, $0x3;
	s13 =	simm.s32 $0x3  }
.LBB2_1:
0x13: {  	[spmem:s12], [sflag:s6] =	dma.local [hbm:s5], $0x2800  }
0x14: {  	_ =	swait.ge [sflag:s13], $0x2800  }
0x15: {  	[sflag:s13] =	ssyncset.done $0x0  }
0x16: {  	[sflag:s13] =	ssyncadd.s32 $0xFFFFD800  }
0x17: {  	[tilespmem:s4], [sflag:$0x3] =	stream.linear.gather [hbm4b:s7+s4], $0x2800, $0x38;
	[tilespmem:$0x1FC00] =	vst v63  }
0x18: {  	_ =	swait.ge [sflag:s13], $0x2800  }
0x19: {  	[sflag:s13] =	ssyncset.done $0x0  }
0x1a: {  	[sflag:s13] =	ssyncadd.s32 $0xFFFFD800  }
0x1b: {  	[tilespmem:s14], [sflag:$0x3] =	stream.linear.gather [hbm4b:s8+s4], $0x1400, $0x38;
	[tilespmem:$0x1FC00] =	vst v63  }
0x1c: {  	_ =	swait.ge [sflag:s13], $0x1400  }
0x1d: {  	[sflag:s13] =	ssyncset.done $0x0  }
0x1e: {  	[sflag:s13] =	ssyncadd.s32 $0xFFFFEC00  }
0x1f: {  	[bflag:$0x0] =	sbarrier.arrive $0xFFFF  }
0x20: {  	[tilespmem:s16], [sflag:$0x1] =	stream.indirect.gather [hbm4b:s1+s15], $0x80, s4, s15, $0xb8;
	[tilespmem:$0x1FC00] =	vst v63  }
0x21: {  	s24 =	simm.s32 $0x80  }
0x22: {  	[tilespmem:s17], [sflag:$0x2] =	stream.indirect.gather [hbm4b:s1+s15], $0x80, s24, s15, $0xb8;
	[tilespmem:$0x1FC00] =	vst v63  }
0x23: {  	_ =	swait.ge [sflag:s18], $0x3E80  }
0x24: {  	[sflag:s18] =	ssyncset.done $0x0  }
0x25: {  	s29 =	simm.s32 $0x2800;
	[sflag:s18] =	ssyncadd.s32 $0xFFFFC180  }
0x26: {  	[spmem:s3] =	stream.indirect.scatter.add.f32 [tilespmem:s16], [sflag:$0x3], $0x80, s29, s15, $0xb8;
	[tilespmem:$0x1FC00] =	vst v63  }
0x27: {  	_ =	swait.ge [sflag:s13], $0x3E80  }
0x28: {  	[sflag:s13] =	ssyncset.done $0x0  }
0x29: {  	s30 =	simm.s32 $0x100;
	[sflag:s13] =	ssyncadd.s32 $0xFFFFC180  }
0x2a: {  	[tilespmem:s16], [sflag:$0x1] =	stream.indirect.gather [hbm4b:s1+s15], $0x80, s30, s15, $0xb8;
	[tilespmem:$0x1FC00] =	vst v63  }
0x2b: {  	_ =	swait.ge [sflag:s19], $0x3E80  }
0x2c: {  	[sflag:s19] =	ssyncset.done $0x0  }
0x2d: {  	s31 =	simm.s32 $0x2880;
	[sflag:s19] =	ssyncadd.s32 $0xFFFFC180  }
0x2e: {  	[spmem:s3] =	stream.indirect.scatter.add.f32 [tilespmem:s17], [sflag:$0x3], $0x80, s31, s15, $0xb8;
	[tilespmem:$0x1FC00] =	vst v63  }
0x2f: {  	_ =	swait.ge [sflag:s13], $0x3E80  }
0x30: {  	s25 =	simm.s32 $0x800;
	s24 =	simm.s32 $0x100;
	[sflag:s13] =	ssyncset.done $0x0  }
.LBB2_2:
0x31: {  	s26 =	sadd.s32 $0x80, s24  }
0x32: {  	[sflag:s13] =	ssyncadd.s32 $0xFFFFC180;
	s28 =	smov.u32 s25;
	s29 =	sadd.s32 $0x400, s25  }
0x33: {  	[tilespmem:s17], [sflag:$0x2] =	stream.indirect.gather [hbm4b:s1+s15], $0x80, s26, s15, $0xb8;
	[tilespmem:$0x1FC00] =	vst v63  }
0x34: {  	p0 =	sne.s32 s25, $0x4C00;
	_ =	swait.ge [sflag:s18], $0x3E80  }
0x35: {  	[sflag:s18] =	ssyncset.done $0x0  }
0x36: {  	s25 =	sadd.s32 $0x2800, s24;
	[sflag:s18] =	ssyncadd.s32 $0xFFFFC180  }
0x37: {  	[spmem:s3] =	stream.indirect.scatter.add.f32 [tilespmem:s16], [sflag:$0x3], $0x80, s25, s15, $0xb8;
	[tilespmem:$0x1FC00] =	vst v63  }
0x38: {  	_ =	swait.ge [sflag:s13], $0x3E80  }
0x39: {  	[sflag:s13] =	ssyncset.done $0x0  }
0x3a: {  	s25 =	sadd.s32 $0x100, s24;
	[sflag:s13] =	ssyncadd.s32 $0xFFFFC180  }
0x3b: {  	[tilespmem:s16], [sflag:$0x1] =	stream.indirect.gather [hbm4b:s1+s15], $0x80, s25, s15, $0xb8;
	[tilespmem:$0x1FC00] =	vst v63  }
0x3c: {  	_ =	swait.ge [sflag:s19], $0x3E80  }
.Ltmp0:
0x3d: {  	[sflag:s19] =	ssyncset.done $0x0;
	(pc) =	sbr.rel @p0 .LBB2_2-.Ltmp0, $4  }
0x3e: {  	s24 =	sadd.s32 $0x2880, s24;
	[sflag:s19] =	ssyncadd.s32 $0xFFFFC180  }
0x3f: {  	[spmem:s3] =	stream.indirect.scatter.add.f32 [tilespmem:s17], [sflag:$0x3], $0x80, s24, s15, $0xb8;
	[tilespmem:$0x1FC00] =	vst v63  }
0x40: {  	_ =	swait.ge [sflag:s13], $0x3E80  }
0x41: {  	s25 =	smov.u32 s29;
	s24 =	sshra.s32 s28, $0x2;
	[sflag:s13] =	ssyncset.done $0x0  }
0x42: {  	s25 =	sadd.s32 $0x80, s24;
	[sflag:s13] =	ssyncadd.s32 $0xFFFFC180  }
0x43: {  	[tilespmem:s17], [sflag:$0x2] =	stream.indirect.gather [hbm4b:s1+s15], $0x80, s25, s15, $0xb8;
	[tilespmem:$0x1FC00] =	vst v63  }
0x44: {  	_ =	swait.ge [sflag:s18], $0x3E80  }
0x45: {  	[sflag:s18] =	ssyncset.done $0x0  }
0x46: {  	s30 =	sadd.s32 $0x2800, s24;
	[sflag:s18] =	ssyncadd.s32 $0xFFFFC180  }
0x47: {  	[spmem:s3] =	stream.indirect.scatter.add.f32 [tilespmem:s16], [sflag:$0x3], $0x80, s30, s15, $0xb8;
	[tilespmem:$0x1FC00] =	vst v63  }
0x48: {  	_ =	swait.ge [sflag:s13], $0x3E80  }
0x49: {  	[sflag:s13] =	ssyncset.done $0x0  }
0x4a: {  	s31 =	sadd.s32 $0x100, s24;
	[sflag:s13] =	ssyncadd.s32 $0xFFFFC180  }
0x4b: {  	[tilespmem:s16], [sflag:$0x1] =	stream.indirect.gather [hbm4b:s1+s15], $0x80, s31, s15, $0xb8;
	[tilespmem:$0x1FC00] =	vst v63  }
0x4c: {  	_ =	swait.ge [sflag:s19], $0x3E80  }
0x4d: {  	[sflag:s19] =	ssyncset.done $0x0  }
0x4e: {  	s25 =	sadd.s32 $0x2880, s24;
	[sflag:s19] =	ssyncadd.s32 $0xFFFFC180  }
0x4f: {  	[spmem:s3] =	stream.indirect.scatter.add.f32 [tilespmem:s17], [sflag:$0x3], $0x80, s25, s15, $0xb8;
	[tilespmem:$0x1FC00] =	vst v63  }
0x50: {  	_ =	swait.ge [sflag:s13], $0x3E80  }
0x51: {  	[sflag:s13] =	ssyncset.done $0x0  }
0x52: {  	s26 =	simm.s32 $0x0;
	[sflag:s13] =	ssyncadd.s32 $0xFFFFC180  }
0x53: {  	[tilespmem:s14], [sflag:$0x3] =	stream.linear.gather [hbm4b:s9+s26], $0x1400, $0x38;
	[tilespmem:$0x1FC00] =	vst v63  }
0x54: {  	_ =	swait.ge [sflag:s13], $0x1400  }
0x55: {  	[sflag:s13] =	ssyncset.done $0x0  }
0x56: {  	s28 =	simm.s32 $0x1480;
	[sflag:s13] =	ssyncadd.s32 $0xFFFFEC00  }
0x57: {  	[tilespmem:s17], [sflag:$0x2] =	stream.indirect.gather [hbm4b:s1+s15], $0x80, s28, s15, $0xb8;
	[tilespmem:$0x1FC00] =	vst v63  }
0x58: {  	_ =	swait.ge [sflag:s18], $0x3E80  }
0x59: {  	[sflag:s18] =	ssyncset.done $0x0  }
0x5a: {  	s29 =	simm.s32 $0x2800;
	[sflag:s18] =	ssyncadd.s32 $0xFFFFC180  }
0x5b: {  	[spmem:s3] =	stream.indirect.scatter.add.f32 [tilespmem:s16], [sflag:$0x3], $0x80, s29, s15, $0xb8;
	[tilespmem:$0x1FC00] =	vst v63  }
0x5c: {  	_ =	swait.ge [sflag:s13], $0x3E80  }
0x5d: {  	[sflag:s13] =	ssyncset.done $0x0  }
0x5e: {  	s30 =	simm.s32 $0x1500;
	[sflag:s13] =	ssyncadd.s32 $0xFFFFC180  }
0x5f: {  	[tilespmem:s16], [sflag:$0x1] =	stream.indirect.gather [hbm4b:s1+s15], $0x80, s30, s15, $0xb8;
	[tilespmem:$0x1FC00] =	vst v63  }
0x60: {  	_ =	swait.ge [sflag:s19], $0x3E80  }
0x61: {  	[sflag:s19] =	ssyncset.done $0x0  }
0x62: {  	s31 =	simm.s32 $0x2880;
	[sflag:s19] =	ssyncadd.s32 $0xFFFFC180  }
0x63: {  	[spmem:s3] =	stream.indirect.scatter.add.f32 [tilespmem:s17], [sflag:$0x3], $0x80, s31, s15, $0xb8;
	[tilespmem:$0x1FC00] =	vst v63  }
0x64: {  	_ =	swait.ge [sflag:s13], $0x3E80  }
0x65: {  	s24 =	simm.s32 $0x100;
	s25 =	simm.s32 $0x800;
	[sflag:s13] =	ssyncset.done $0x0  }
.LBB2_4:
0x66: {  	s26 =	sadd.s32 $0x1480, s24  }
0x67: {  	[sflag:s13] =	ssyncadd.s32 $0xFFFFC180;
	s28 =	smov.u32 s25;
	s29 =	sadd.s32 $0x400, s25  }
0x68: {  	[tilespmem:s17], [sflag:$0x2] =	stream.indirect.gather [hbm4b:s1+s15], $0x80, s26, s15, $0xb8;
	[tilespmem:$0x1FC00] =	vst v63  }
0x69: {  	p0 =	sne.s32 s25, $0x4800;
	_ =	swait.ge [sflag:s18], $0x3E80  }
0x6a: {  	[sflag:s18] =	ssyncset.done $0x0  }
0x6b: {  	s25 =	sadd.s32 $0x2800, s24;
	[sflag:s18] =	ssyncadd.s32 $0xFFFFC180  }
0x6c: {  	[spmem:s3] =	stream.indirect.scatter.add.f32 [tilespmem:s16], [sflag:$0x3], $0x80, s25, s15, $0xb8;
	[tilespmem:$0x1FC00] =	vst v63  }
0x6d: {  	_ =	swait.ge [sflag:s13], $0x3E80  }
0x6e: {  	[sflag:s13] =	ssyncset.done $0x0  }
0x6f: {  	s25 =	sadd.s32 $0x1500, s24;
	[sflag:s13] =	ssyncadd.s32 $0xFFFFC180  }
0x70: {  	[tilespmem:s16], [sflag:$0x1] =	stream.indirect.gather [hbm4b:s1+s15], $0x80, s25, s15, $0xb8;
	[tilespmem:$0x1FC00] =	vst v63  }
0x71: {  	_ =	swait.ge [sflag:s19], $0x3E80  }
.Ltmp1:
0x72: {  	[sflag:s19] =	ssyncset.done $0x0;
	(pc) =	sbr.rel @p0 .LBB2_4-.Ltmp1, $4  }
0x73: {  	s24 =	sadd.s32 $0x2880, s24;
	[sflag:s19] =	ssyncadd.s32 $0xFFFFC180  }
0x74: {  	[spmem:s3] =	stream.indirect.scatter.add.f32 [tilespmem:s17], [sflag:$0x3], $0x80, s24, s15, $0xb8;
	[tilespmem:$0x1FC00] =	vst v63  }
0x75: {  	_ =	swait.ge [sflag:s13], $0x3E80  }
0x76: {  	s25 =	smov.u32 s29;
	s24 =	sshra.s32 s28, $0x2;
	[sflag:s13] =	ssyncset.done $0x0  }
0x77: {  	s25 =	sadd.s32 $0x1480, s24;
	[sflag:s13] =	ssyncadd.s32 $0xFFFFC180  }
0x78: {  	[tilespmem:s17], [sflag:$0x2] =	stream.indirect.gather [hbm4b:s1+s15], $0x80, s25, s15, $0xb8;
	[tilespmem:$0x1FC00] =	vst v63  }
0x79: {  	_ =	swait.ge [sflag:s18], $0x3E80  }
0x7a: {  	[sflag:s18] =	ssyncset.done $0x0  }
0x7b: {  	s29 =	sadd.s32 $0x2800, s24;
	[sflag:s18] =	ssyncadd.s32 $0xFFFFC180  }
0x7c: {  	[spmem:s3] =	stream.indirect.scatter.add.f32 [tilespmem:s16], [sflag:$0x3], $0x80, s29, s15, $0xb8;
	[tilespmem:$0x1FC00] =	vst v63  }
0x7d: {  	_ =	swait.ge [sflag:s13], $0x3E80  }
0x7e: {  	[sflag:s13] =	ssyncset.done $0x0  }
0x7f: {  	s30 =	sadd.s32 $0x1500, s24;
	[sflag:s13] =	ssyncadd.s32 $0xFFFFC180  }
0x80: {  	[tilespmem:s16], [sflag:$0x1] =	stream.indirect.gather [hbm4b:s1+s15], $0x80, s30, s15, $0xb8;
	[tilespmem:$0x1FC00] =	vst v63  }
0x81: {  	_ =	swait.ge [sflag:s19], $0x3E80  }
0x82: {  	[sflag:s19] =	ssyncset.done $0x0  }
0x83: {  	s31 =	sadd.s32 $0x2880, s24;
	[sflag:s19] =	ssyncadd.s32 $0xFFFFC180  }
0x84: {  	[spmem:s3] =	stream.indirect.scatter.add.f32 [tilespmem:s17], [sflag:$0x3], $0x80, s31, s15, $0xb8;
	[tilespmem:$0x1FC00] =	vst v63  }
0x85: {  	_ =	swait.ge [sflag:s13], $0x3E80  }
0x86: {  	[sflag:s13] =	ssyncset.done $0x0  }
0x87: {  	[sflag:s13] =	ssyncadd.s32 $0xFFFFC180  }
0x88: {  	[tilespmem:s17], [sflag:$0x2] =	stream.indirect.gather [hbm4b:s1+s15], $0x80, s20, s15, $0xb8;
	[tilespmem:$0x1FC00] =	vst v63  }
0x89: {  	_ =	swait.ge [sflag:s18], $0x3E80  }
0x8a: {  	[sflag:s18] =	ssyncset.done $0x0  }
0x8b: {  	[sflag:s18] =	ssyncadd.s32 $0xFFFFC180  }
0x8c: {  	[spmem:s3] =	stream.indirect.scatter.add.f32 [tilespmem:s16], [sflag:$0x3], $0x80, s21, s15, $0xb8;
	[tilespmem:$0x1FC00] =	vst v63  }
0x8d: {  	_ =	swait.ge [sflag:s13], $0x3E80  }
0x8e: {  	[sflag:s13] =	ssyncset.done $0x0  }
0x8f: {  	[sflag:s13] =	ssyncadd.s32 $0xFFFFC180  }
0x90: {  	[tilespmem:s16], [sflag:$0x1] =	stream.indirect.gather [hbm4b:s1+s15], $0x80, s20, s15, $0xb8;
	[tilespmem:$0x1FC00] =	vst v63  }
0x91: {  	_ =	swait.ge [sflag:s19], $0x3E80  }
0x92: {  	[sflag:s19] =	ssyncset.done $0x0  }
0x93: {  	[sflag:s19] =	ssyncadd.s32 $0xFFFFC180  }
0x94: {  	[spmem:s3] =	stream.indirect.scatter.add.f32 [tilespmem:s17], [sflag:$0x3], $0x80, s22, s15, $0xb8;
	[tilespmem:$0x1FC00] =	vst v63  }
0x95: {  	_ =	swait.ge [sflag:s13], $0x3E80  }
0x96: {  	[sflag:s13] =	ssyncset.done $0x0  }
0x97: {  	[sflag:s13] =	ssyncadd.s32 $0xFFFFC180  }
0x98: {  	_ =	swait.ge [sflag:s18], $0x3E80  }
0x99: {  	s23 =	sadd.s32 $0x1, s23;
	[sflag:s18] =	ssyncset.done $0x0  }
0x9a: {  	p0 =	sne.s32 s23, s11;
	[sflag:s18] =	ssyncadd.s32 $0xFFFFC180  }
.Ltmp2:
0x9b: {  	[bflag:$0x0] =	sbarrier.arrive $0xFFFF;
	(pc) =	sbr.rel @p0 .LBB2_1-.Ltmp2, $4  }
0x9c: {  	[hbm:s10], [sflag:s6] =	dma.local [spmem:s12], $0x2800  }
0x9d: {  	_ =	swait.ge [sflag:s13], $0x2800  }
0x9e: {  	[sflag:s13] =	ssyncset.done $0x0  }
0x9f: {  	[sflag:s13] =	ssyncadd.s32 $0xFFFFD800  }
0xa0: {  	_ =	sfence.sel $0x180000  }
0xa1: {  	[bflag:$0x0] =	sbarrier.arrive $0xFFFF  }
0xa2: {  	p0 =	sne.s32 s0, $0x0;
	_ =	strace $0x9000004D  }
0xa3: {  	s0 =	sadd.s32 @!p0 $0x100000, s2;
	[bflag:$0x2] =	sbarrier.arrive $0xFFFF  }
0xa4: {  	[sflag:s0] =	ssyncadd.tile.s32 @!p0 $0x1;
	_ =	shalt  }
.Lfunc_end2:
_tile_overlayer_lowered:
.L_overlay_start_2:
0xa5: {  	(tag) =	ssettag $0x2  }
0xa6: {  	s0 =	rddreg [dreg:$0x0];
	s2 =	stileid.u32  }
0xa7: {  	s1 =	rddreg [dreg:$0x1];
	p0 =	sne.s32 s2, $0x0  }
0xa8: {  	s3 =	rddreg [dreg:$0x2];
	[bflag:$0x3] =	sbarrier.arrive $0xFFFF;
	s2 =	simm.s32 @!p0 $0x1C03  }
0xa9: {  	[timem:s3], [sflag:s2] =	dma.local @!p0 [hbm:s0], s1  }
0xaa: {  	s0 =	simm.s32 @!p0 $0x3  }
0xab: {  	_ =	swait.ge @!p0 [sflag:s0], s1  }
0xac: {  	s1 =	ssub.s32 @!p0 $0x0, s1;
	[sflag:s0] =	ssyncset.done @!p0 $0x0  }
0xad: {  	[sflag:s0] =	ssyncadd.s32 @!p0 s1  }
0xae: {  	[bflag:$0x3] =	sbarrier.arrive $0xFFFF  }
0xaf: {  	_ =	shalt  }

// kernel: kernel.9.cloned.1.call-start
scs
__scs_entry_jumppad:
0x0: {  	(pc) =	sbr.rel $0x88, $3  }
0x1: {  	(tag) =	ssettag $0x0;
	lr =	simm.s32 $0x1  }
0x2: {  	[smem:$0x3F97] =	sst lr;
	_ =	strace $0xD0000000  }
0x3: {  	_ = 	snop  }
0x4: {  	_ = 	snop  }
0x5: {  	_ = 	snop  }
0x6: {  	_ = 	snop  }
0x7: {  	_ = 	snop  }
__scs_overlays_trampoline_lowered:
0x8: {  	[smem:$0x3FA6] =	sst s0  }
0x9: {  	[smem:$0x3FA7] =	sst s1  }
0xa: {  	[smem:$0x3FA8] =	sst s2  }
0xb: {  	[smem:$0x3FA9] =	sst s3  }
0xc: {  	[smem:$0x3FAA] =	sst s4  }
0xd: {  	[smem:$0x3FAB] =	sst s5  }
0xe: {  	[smem:$0x3FAC] =	sst s6  }
0xf: {  	[smem:$0x3FAD] =	sst s7  }
0x10: {  	[smem:$0x3FAE] =	sst s8  }
0x11: {  	[smem:$0x3FAF] =	sst s9;
	s0 =	simm.s32 @!p0 $0x0  }
0x12: {  	s1 =	sld [smem:$0x3F95];
	s0 =	simm.s32 @p0 $0x1  }
0x13: {  	[smem:$0x3FB0] =	sst s0;
	s0 =	simm.s32 @!p1 $0x0  }
0x14: {  	s2 =	sld [smem:$0x3F94];
	s0 =	simm.s32 @p1 $0x1  }
0x15: {  	[smem:$0x3FB1] =	sst s0;
	s0 =	simm.s32 @!p2 $0x0  }
0x16: {  	s3 =	sld [smem:$0x3FDB];
	s0 =	simm.s32 @p2 $0x1  }
0x17: {  	s4 =	simm.s32 $0x1BF5;
	[smem:$0x3FB3] =	sst s0  }
0x18: {  	s0 =	sld [smem:$0x3F96];
	_ =	swait.ge [sflag:s4], $0x0  }
0x19: {  	s7 =	sld [smem:$0x3F97]  }
0x1a: {  	s8 =	sadd.s32 $0xFFFFE003, lr  }
0x1b: {  	s9 =	sadd.s32 $0xFFFFFEF7, lr;
	s5 =	simm.s32 $0xFFFFFFFF;
	p2 =	slt.u32 s8, $0xFFFFF086  }
0x1c: {  	p1 =	slt.u32 s9, $0xF7A;
	s5 =	simm.s32 @!p2 $0x0  }
0x1d: {  	s5 =	simm.s32 @p1 $0x1;
	p0 =	seq.s32 s7, s2  }
0x1e: {  	s7 =	smul.u32 @!p0 $0xF7A, s2;
	p2 =	seq.s32 @!p0 s5, $0x0  }
0x1f: {  	s9 =	smul.u32 $0xF7A, s1;
	s8 =	simm.s32 @!p0 $0x1BF5;
	p2 =	por !p2, p0  }
0x20: {  	[sflag:s8] =	ssyncset.s32 @!p0 $0xFFFFF086;
	s6 =	sadd.s32 @!p0 s3, s7;
	s7 =	simm.s32 @!p0 $0x108  }
0x21: {  	s3 =	sadd.s32 s3, s9;
	s6 =	sadd.s32 @!p0 $0x88, s6;
	s7 =	simm.s32 @p2 $0x1082  }
0x22: {  	[simem:s7], [sflag:s8] =	dma.local @!p0 [hbm:s6], $0xF7A  }
0x23: {  	s9 =	sor.u32 $0xD0000000, s2;
	s6 =	simm.s32 $0x108;
	_ =	swait.ge @!p0 [sflag:s8], $0x0  }
0x24: {  	s3 =	sadd.s32 $0x88, s3;
	s6 =	simm.s32 @!p1 $0x1082;
	[sflag:s4] =	ssyncset.s32 $0xFFFFF086  }
0x25: {  	[simem:s6], [sflag:s4] =	dma.local [hbm:s3], $0xF7A  }
0x26: {  	[smem:$0x3F97] =	sst s1;
	(tag) =	ssettag s2;
	_ =	strace s9  }
0x27: {  	s1 =	sld [smem:$0x3FA7]  }
0x28: {  	s2 =	sld [smem:$0x3FA8]  }
0x29: {  	s4 =	sld [smem:$0x3FAA]  }
0x2a: {  	p0 =	seq.s32 s5, $0x0;
	s5 =	sld [smem:$0x3FAB]  }
0x2b: {  	s6 =	sld [smem:$0x3FAC]  }
0x2c: {  	s7 =	sld [smem:$0x3FAD]  }
0x2d: {  	s3 =	simm.s32 $0x108;
	s8 =	sld [smem:$0x3FAE]  }
0x2e: {  	s3 =	simm.s32 @!p0 $0x1082;
	s9 =	sld [smem:$0x3FAF]  }
0x2f: {  	lr =	sadd.s32 s0, s3;
	s0 =	sld [smem:$0x3FA6]  }
0x30: {  	s3 =	sld [smem:$0x3FA9]  }
0x31: {  	[smem:$0x3FB2] =	sst s10  }
0x32: {  	s10 =	sld [smem:$0x3FB0];
	_ =	sdelay $0x3  }
0x33: {  	p0 =	seq.s32 s10, $0x1;
	s10 =	sld [smem:$0x3FB2];
	_ =	sdelay $0x3  }
0x34: {  	[smem:$0x3FB2] =	sst s10  }
0x35: {  	s10 =	sld [smem:$0x3FB1];
	_ =	sdelay $0x3  }
0x36: {  	p1 =	seq.s32 s10, $0x1;
	s10 =	sld [smem:$0x3FB2];
	_ =	sdelay $0x3  }
0x37: {  	[smem:$0x3FB2] =	sst s10  }
0x38: {  	s10 =	sld [smem:$0x3FB3]  }
0x39: {  	_ = 	snop;
	(pc) =	sbr.ind lr, $3  }
0x3a: {  	_ = 	snop  }
0x3b: {  	_ = 	snop  }
0x3c: {  	p2 =	seq.s32 s10, $0x1;
	s10 =	sld [smem:$0x3FB2]  }
0x3d: {  	_ =	shalt  }
0x3e: {  	_ =	shalt  }
0x3f: {  	_ =	shalt  }
0x40: {  	_ =	shalt  }
0x41: {  	_ =	shalt  }
0x42: {  	_ =	shalt  }
0x43: {  	_ =	shalt  }
0x44: {  	_ =	shalt  }
0x45: {  	_ =	shalt  }
0x46: {  	_ =	shalt  }
0x47: {  	_ =	shalt  }
0x48: {  	_ =	shalt  }
0x49: {  	_ =	shalt  }
0x4a: {  	_ =	shalt  }
0x4b: {  	_ =	shalt  }
0x4c: {  	_ =	shalt  }
0x4d: {  	_ =	shalt  }
0x4e: {  	_ =	shalt  }
0x4f: {  	_ =	shalt  }
0x50: {  	_ =	shalt  }
0x51: {  	_ =	shalt  }
0x52: {  	_ =	shalt  }
0x53: {  	_ =	shalt  }
0x54: {  	_ =	shalt  }
0x55: {  	_ =	shalt  }
0x56: {  	_ =	shalt  }
0x57: {  	_ =	shalt  }
0x58: {  	_ =	shalt  }
0x59: {  	_ =	shalt  }
0x5a: {  	_ =	shalt  }
0x5b: {  	_ =	shalt  }
0x5c: {  	_ =	shalt  }
0x5d: {  	_ =	shalt  }
0x5e: {  	_ =	shalt  }
0x5f: {  	_ =	shalt  }
0x60: {  	_ =	shalt  }
0x61: {  	_ =	shalt  }
0x62: {  	_ =	shalt  }
0x63: {  	_ =	shalt  }
0x64: {  	_ =	shalt  }
0x65: {  	_ =	shalt  }
0x66: {  	_ =	shalt  }
0x67: {  	_ =	shalt  }
0x68: {  	_ =	shalt  }
0x69: {  	_ =	shalt  }
0x6a: {  	_ =	shalt  }
0x6b: {  	_ =	shalt  }
0x6c: {  	_ =	shalt  }
0x6d: {  	_ =	shalt  }
0x6e: {  	_ =	shalt  }
0x6f: {  	_ =	shalt  }
0x70: {  	_ =	shalt  }
0x71: {  	_ =	shalt  }
0x72: {  	_ =	shalt  }
0x73: {  	_ =	shalt  }
0x74: {  	_ =	shalt  }
0x75: {  	_ =	shalt  }
0x76: {  	_ =	shalt  }
0x77: {  	_ =	shalt  }
0x78: {  	_ =	shalt  }
0x79: {  	_ =	shalt  }
0x7a: {  	_ =	shalt  }
0x7b: {  	_ =	shalt  }
0x7c: {  	_ =	shalt  }
0x7d: {  	_ =	shalt  }
0x7e: {  	_ =	shalt  }
0x7f: {  	_ =	shalt  }
0x80: {  	_ =	shalt  }
0x81: {  	_ =	shalt  }
0x82: {  	_ =	shalt  }
0x83: {  	_ =	shalt  }
0x84: {  	_ =	shalt  }
0x85: {  	_ =	shalt  }
0x86: {  	_ =	shalt  }
0x87: {  	_ =	shalt  }
.Lfunc_end0:
.L_simem_size_0:
called_computation_lowered:
.L_overlay_start_0:
0x88: {  	s2 =	sld [smem:$0x3FD9]  }
0x89: {  	s3 =	sld [smem:$0x3FFE];
	_ =	sdelay $0x1  }
0x8a: {  	s1 =	srdreg.scid  }
0x8b: {  	s0 =	sand.u32 $0x1, s1  }
0x8c: {  	s17 =	sshll.u32 s0, $0xA;
	s2 =	sadd.s32 s3, s2  }
0x8d: {  	s2 =	sadd.s32 s2, s17  }
0x8e: {  	[smem:$0x3FBE] =	sst s2  }
0x8f: {  	_ = 	snop  }
0x90: {  	s2 =	sld [smem:$0x3FD0];
	(tm) =	ssettm $0x1  }
0x91: {  	s18 =	sld [smem:$0x3FFB];
	_ =	sdelay $0x3  }
0x92: {  	_ =	strace s18  }
0x93: {  	s3 =	sld [smem:$0x3FFC];
	_ =	sdelay $0x3  }
0x94: {  	_ =	strace s3  }
0x95: {  	s3 =	sld [smem:$0x3FFD];
	_ =	sdelay $0x3  }
0x96: {  	_ =	strace s3  }
0x97: {  	_ =	strace $0x8FFFFFFF  }
0x98: {  	s19 =	sld [smem:$0x3FDB];
	_ =	sdelay $0x1  }
0x99: {  	s4 =	simm.s32 $_scs_section_size  }
0x9a: {  	s5 =	simm.s32 $_size__tile_overlayer_lowered;
	s6 =	simm.s32 $_tile_overlayer_lowered  }
0x9b: {  	s22 =	simm.s32 $0x1BFF;
	s21 =	sshll.u32 s6, $0x1;
	s3 =	sadd.s32 s4, s19  }
0x9c: {  	s7 =	simm.s32 $0x0;
	s20 =	sshll.u32 s5, $0x1;
	s5 =	sadd.s32 s21, s3  }
0x9d: {  	[timem:s7], [sflag:s22] =	dma.local [hbm:s5], s20  }
0x9e: {  	_ =	swait.ge [sflag:s22], s20  }
0x9f: {  	s4 =	ssub.s32 $0x0, s20;
	[sflag:s22] =	ssyncset.done $0x0  }
0xa0: {  	[sflag:s22] =	ssyncadd.s32 s4;
	_ =	sdelay $0x1  }
0xa1: {  	s23 =	simm.s32 $0x1B8B  }
0xa2: {  	_ =	swait.ge [sflag:s23], $0x1  }
0xa3: {  	[sflag:s23] =	ssyncset.done $0x0  }
0xa4: {  	s25 =	simm.s32 $0x1B8E;
	s24 =	sld [smem:$0x3FFE];
	[sflag:s23] =	ssyncadd.s32 $0xFFFFFFFF  }
0xa5: {  	s26 =	simm.s32 $execute0_lowered;
	[smem:$0x3FD2] =	sst s25  }
0xa6: {  	s5 =	sshll.u32 s26, $0x1;
	_ =	strace $0x80000046;
	[dreg:$0x1] =	wrdreg $0xFFFFFFFF  }
0xa7: {  	s28 =	simm.s32 $_size_execute0_lowered;
	s3 =	sadd.s32 s3, s5;
	[dreg:$0x0] =	wrdreg $0x0  }
0xa8: {  	s5 =	sshll.u32 s28, $0x1;
	[dreg:$0x2] =	wrdreg s3  }
0xa9: {  	[dreg:$0x3] =	wrdreg s5  }
0xaa: {  	[dreg:$0x4] =	wrdreg $0xC0  }
0xab: {  	_ =	task [dreg:s7], $0x5FFFF  }
0xac: {  	[dreg:$0x1] =	wrdreg $0xFFFFFFFF  }
0xad: {  	[dreg:$0x0] =	wrdreg $0x60  }
0xae: {  	[dreg:$0x2] =	wrdreg s2  }
0xaf: {  	[dreg:$0x3] =	wrdreg s24  }
0xb0: {  	[dreg:$0x4] =	wrdreg $0x68000  }
0xb1: {  	[dreg:$0x5] =	wrdreg $0x9  }
0xb2: {  	_ =	task.clear_ibuf [dreg:s7], $0x6FFFF;
	_ =	strace $0x90000046  }
0xb3: {  	s29 =	simm.s32 $0x9;
	_ =	strace $0x80000048  }
0xb4: {  	_ =	swait.ge [sflag:s29], $0x1  }
0xb5: {  	[sflag:s29] =	ssyncadd.s32 $0xFFFFFFFF  }
0xb6: {  	_ =	strace $0x90000048  }
0xb7: {  	_ =	sfence  }
0xb8: {  	s30 =	sld [smem:$0x0];
	_ =	sdelay $0x2  }
0xb9: {  	s31 =	sshll.u32 s1, $0xD;
	s1 =	sshrl.u32 s1, $0x2  }
0xba: {  	s3 =	sand.u32 $0x4000, s31;
	s1 =	sadd.s32 s1, s30  }
0xbb: {  	s0 =	sor.u32 s3, s0;
	s1 =	sshll.u32 s1, $0x11  }
0xbc: {  	s0 =	sor.u32 s1, s0  }
0xbd: {  	s0 =	sadd.s32 $0x8F2B, s0  }
0xbe: {  	[sflag:s0] =	ssyncadd.remote.s32 $0x1  }
0xbf: {  	_ =	sfence.sel $0xFFFF  }
0xc0: {  	[dreg:$0x0] =	wrdreg $0xFFFFFFFF;
	(pc) =	sbr.abs _section_cstart, $3  }
0xc1: {  	[dreg:$0x1] =	wrdreg $0xFFFFFFFF  }
0xc2: {  	_ =	task.clear_ibuf [dreg:s7], $0x2FFFF;
	_ =	strace $0x9FFFFFFF  }
0xc3: {  	(tm) =	ssettm $0x7FFFFFFF  }
tec
execute0_lowered:
.L_overlay_start_1:
0x0: {  	(tag) =	ssettag $0x1  }
0x1: {  	s7 =	rddreg [dreg:$0x0]  }
0x2: {  	s5 =	rddreg [dreg:$0x1]  }
0x3: {  	s2 =	rddreg [dreg:$0x2]  }
0x4: {  	s0 =	rddreg [dreg:$0x3];
	s3 =	simm.s32 $0x0;
	s1 =	stileid.u32  }
0x5: {  	s4 =	srdreg.scid;
	s14 =	simm.s32 $0x1;
	s15 =	simm.s32 $0x0  }
0x6: {  	[smem:$0x7FF] =	sst s3;
	s6 =	smul.u32 $0x14000, s1;
	s8 =	sand.u32 $0x1, s4  }
0x7: {  	s4 =	sadd.s32 $0x2A600, s5;
	s11 =	smul.u32 $0x50000, s1;
	s30 =	sshll.u32 s1, $0x6  }
0x8: {  	s31 =	sshll.u32 s1, $0xB;
	_ =	strace $0x80000047;
	s9 =	smul.u32 $0x140000, s8  }
0x9: {  	s29 =	ssub.s32 $0x2, s8;
	s8 =	sshll.u32 s8, $0xF;
	s7 =	sadd.s32 s7, s31  }
0xa: {  	s10 =	sshrl.u32 s6, $0x3;
	s12 =	sshrl.u32 s29, $0x1;
	s11 =	sshrl.u32 s11, $0x2  }
0xb: {  	s7 =	sadd.s32 s8, s7;
	s10 =	sadd.s32 s10, s5;
	s6 =	sadd.s32 s6, s9  }
0xc: {  	s9 =	ssub.s32 s29, s12;
	s11 =	sadd.s32 s11, s2;
	s6 =	sshrl.u32 s6, $0x3  }
0xd: {  	s12 =	simm.s32 $0x4000;
	s9 =	smax.u32 s9, $0x1;
	s13 =	sadd.s32 s6, s5  }
0xe: {  	s5 =	sadd.s32 $0x2600, s10;
	s6 =	sor.u32 $0x1C02, s30;
	s10 =	sshrl.u32 s11, $0x3  }
0xf: {  	s11 =	simm.s32 $0x2;
	s8 =	sadd.s32 $0x52600, s13;
	s13 =	simm.s32 $0x50  }
.LBB2_1:
0x10: {  	[spmem:s10], [sflag:s6] =	dma.local [hbm:s5], $0x2800  }
0x11: {  	_ =	swait.ge [sflag:s11], $0x2800  }
0x12: {  	[sflag:s11] =	ssyncset.done $0x0  }
0x13: {  	[sflag:s11] =	ssyncadd.s32 $0xFFFFD800  }
0x14: {  	[tilespmem:s3], [sflag:$0x2] =	stream.linear.gather [hbm4b:s7+s3], $0x3E80, $0x38;
	[tilespmem:$0x1A800] =	vst v63  }
0x15: {  	_ =	swait.ge [sflag:s11], $0x3E80  }
0x16: {  	[sflag:s11] =	ssyncset.done $0x0  }
0x17: {  	[sflag:s11] =	ssyncadd.s32 $0xFFFFC180  }
0x18: {  	[tilespmem:s12], [sflag:$0x2] =	stream.linear.gather [hbm4b:s4+s3], $0x2800, $0x38;
	[tilespmem:$0x1A800] =	vst v63  }
0x19: {  	_ =	swait.ge [sflag:s11], $0x2800  }
0x1a: {  	[sflag:s11] =	ssyncset.done $0x0  }
0x1b: {  	[sflag:s11] =	ssyncadd.s32 $0xFFFFD800  }
0x1c: {  	[bflag:$0x0] =	sbarrier.arrive $0xFFFF  }
0x1d: {  	[spmem:s2] =	stream.indirect.scatter.add.f32 [tilespmem:s12], [sflag:$0x1], $0x80, s3, s13, $0xb8;
	[tilespmem:$0x1A800] =	vst v63  }
0x1e: {  	s16 =	simm.s32 $0x80  }
0x1f: {  	[spmem:s2] =	stream.indirect.scatter.add.f32 [tilespmem:s12], [sflag:$0x1], $0x80, s16, s13, $0xb8;
	[tilespmem:$0x1A800] =	vst v63  }
0x20: {  	_ =	swait.ge [sflag:s14], $0x2800  }
0x21: {  	s16 =	simm.s32 $0x400;
	[sflag:s14] =	ssyncset.done $0x0  }
.LBB2_2:
0x22: {  	s17 =	sshra.s32 s16, $0x2;
	[sflag:s14] =	ssyncadd.s32 $0xFFFFD800;
	p0 =	sne.s32 s16, $0xF800  }
0x23: {  	[spmem:s2] =	stream.indirect.scatter.add.f32 [tilespmem:s12], [sflag:$0x1], $0x80, s17, s13, $0xb8;
	[tilespmem:$0x1A800] =	vst v63  }
.Ltmp0:
0x24: {  	_ = 	snop;
	(pc) =	sbr.rel @p0 .LBB2_2-.Ltmp0, $4  }
0x25: {  	_ = 	snop  }
0x26: {  	s16 =	sadd.s32 $0x200, s16  }
0x27: {  	_ =	swait.ge [sflag:s14], $0x2800  }
0x28: {  	[sflag:s14] =	ssyncset.done $0x0  }
0x29: {  	[sflag:s14] =	ssyncadd.s32 $0xFFFFD800  }
0x2a: {  	_ =	swait.ge [sflag:s14], $0x2800  }
0x2b: {  	s15 =	sadd.s32 $0x1, s15;
	[sflag:s14] =	ssyncset.done $0x0  }
0x2c: {  	p0 =	sne.s32 s15, s9;
	[sflag:s14] =	ssyncadd.s32 $0xFFFFD800  }
.Ltmp1:
0x2d: {  	[bflag:$0x0] =	sbarrier.arrive $0xFFFF;
	(pc) =	sbr.rel @p0 .LBB2_1-.Ltmp1, $4  }
0x2e: {  	[hbm:s8], [sflag:s6] =	dma.local [spmem:s10], $0x2800  }
0x2f: {  	_ =	swait.ge [sflag:s11], $0x2800  }
0x30: {  	[sflag:s11] =	ssyncset.done $0x0  }
0x31: {  	[sflag:s11] =	ssyncadd.s32 $0xFFFFD800  }
0x32: {  	_ =	sfence.sel $0x180000  }
0x33: {  	[bflag:$0x0] =	sbarrier.arrive $0xFFFF  }
0x34: {  	p0 =	sne.s32 s1, $0x0;
	_ =	strace $0x90000047  }
0x35: {  	s0 =	sadd.s32 @!p0 $0x100000, s0;
	[bflag:$0x2] =	sbarrier.arrive $0xFFFF  }
0x36: {  	[sflag:s0] =	ssyncadd.tile.s32 @!p0 $0x1;
	_ =	shalt  }
.Lfunc_end2:
_tile_overlayer_lowered:
.L_overlay_start_2:
0x37: {  	(tag) =	ssettag $0x2  }
0x38: {  	s0 =	rddreg [dreg:$0x0];
	s2 =	stileid.u32  }
0x39: {  	s1 =	rddreg [dreg:$0x1];
	p0 =	sne.s32 s2, $0x0  }
0x3a: {  	s3 =	rddreg [dreg:$0x2];
	[bflag:$0x3] =	sbarrier.arrive $0xFFFF;
	s2 =	simm.s32 @!p0 $0x1C02  }
0x3b: {  	[timem:s3], [sflag:s2] =	dma.local @!p0 [hbm:s0], s1  }
0x3c: {  	s0 =	simm.s32 @!p0 $0x2  }
0x3d: {  	_ =	swait.ge @!p0 [sflag:s0], s1  }
0x3e: {  	s1 =	ssub.s32 @!p0 $0x0, s1;
	[sflag:s0] =	ssyncset.done @!p0 $0x0  }
0x3f: {  	[sflag:s0] =	ssyncadd.s32 @!p0 s1  }
0x40: {  	[bflag:$0x3] =	sbarrier.arrive $0xFFFF  }
0x41: {  	_ =	shalt  }

</sc_bundles>
